<compile_context>
chip_gen: v7x
topology: tpu7x:2x2x1
jax: 0.10.2.dev20260603
libtpu: 0.0.44.dev20260713+nightly
codegen_flags: <defaults>
</compile_context>

<pallas_src>
import functools

import jax
import jax.numpy as jnp
from jax import lax
from jax.experimental import pallas as pl
from jax.experimental.pallas import tpu as pltpu
from jax.experimental.pallas import tpu_sc as plsc

B = 16384
F = 26
V = 100000
VP = 100096
D = 16
ND = 38
HID = 64
ALL0 = F * D

NC = 2
NS = 16
NW = NC * NS
BF = B * F
PER_W = BF // NW
CH = 128
GRP = 4
GROUP_ROWS = CH * GRP
N_GRP = PER_W // GROUP_ROWS

VB = 5888
KB = VP // VB
RB = VB // 8


def _pack_body(x_ref, o_ref):
    y = jnp.transpose(x_ref[...])
    y8 = y.reshape(RB, 8, 16)
    cat = jnp.concatenate([y8[:, s, :] for s in range(8)], axis=1)
    o_ref[...] = cat.reshape(VB * D)


def _pack_table(t2p2d):
    return pl.pallas_call(
        _pack_body,
        grid=(F, KB),
        in_specs=[pl.BlockSpec((D, VB), lambda f, k: (f, k))],
        out_specs=pl.BlockSpec((VB * D,), lambda f, k: (f * KB + k,)),
        out_shape=jax.ShapeDtypeStruct((F * VP * D,), jnp.float32),
    )(t2p2d)


def _sc_gather(t2_flat, t1_flat, idx2, idx1):
    mesh = plsc.VectorSubcoreMesh(core_axis_name="c", subcore_axis_name="s")

    @functools.partial(
        pl.kernel,
        mesh=mesh,
        compiler_params=pltpu.CompilerParams(use_tc_tiling_on_sc=False),
        out_type=(
            jax.ShapeDtypeStruct((BF, D), jnp.float32),
            jax.ShapeDtypeStruct((BF,), jnp.float32),
        ),
        scratch_types=[
            pltpu.VMEM((PER_W // CH, CH), jnp.int32),
            pltpu.VMEM((PER_W // CH, CH), jnp.int32),
            pltpu.VMEM((GROUP_ROWS, D), jnp.float32),
            pltpu.VMEM((GROUP_ROWS,), jnp.float32),
            pltpu.SemaphoreType.DMA,
        ],
    )
    def k(t2_hbm, t1_hbm, idx2_hbm, idx1_hbm, out2_hbm, out1_hbm,
          idx2_v, idx1_v, rows_v, scal_v, sem):
        wid = lax.axis_index("s") * NC + lax.axis_index("c")
        base = wid * PER_W
        pltpu.sync_copy(idx2_hbm.at[wid], idx2_v)
        pltpu.sync_copy(idx1_hbm.at[wid], idx1_v)

        def body(g, _):
            cps = []
            for j in range(GRP):
                cps.append(pltpu.make_async_copy(
                    t2_hbm.at[idx2_v.at[g * GRP + j]],
                    rows_v.at[pl.ds(j * CH, CH)], sem))
                cps.append(pltpu.make_async_copy(
                    t1_hbm.at[idx1_v.at[g * GRP + j]],
                    scal_v.at[pl.ds(j * CH, CH)], sem))
            for c in cps:
                c.start()
            for c in cps:
                c.wait()
            off = base + g * GROUP_ROWS
            pltpu.sync_copy(rows_v, out2_hbm.at[pl.ds(off, GROUP_ROWS)])
            pltpu.sync_copy(scal_v, out1_hbm.at[pl.ds(off, GROUP_ROWS)])
            return ()

        lax.fori_loop(0, N_GRP, body, (), unroll=False)

    return k(t2_flat, t1_flat, idx2, idx1)


def _dense_body(e2_ref, e1_ref, xd_ref, smat_ref, w1d_ref, wd_ref, bd_ref,
                w1_ref, c1_ref, w2_ref, c2_ref, w3_ref, c3_ref, wo_ref,
                co_ref, o_ref):
    hi = jax.lax.Precision.DEFAULT
    f32 = jnp.float32
    e2 = e2_ref[...]
    e1 = e1_ref[...]
    xd = xd_ref[...]
    smat = smat_ref[...]
    fm1 = jnp.sum(e1, axis=1, keepdims=True) + jnp.dot(
        xd, w1d_ref[...], precision=hi, preferred_element_type=f32)
    sum_e = jnp.dot(e2, smat, precision=hi, preferred_element_type=f32)
    ssq_e = jnp.dot(e2 * e2, smat, precision=hi, preferred_element_type=f32)
    fm2 = 0.5 * jnp.sum(sum_e * sum_e - ssq_e, axis=1, keepdims=True)
    d0 = e2 + jnp.maximum(
        jnp.dot(xd, wd_ref[...], precision=hi, preferred_element_type=f32)
        + bd_ref[...], 0.0)
    h = jnp.maximum(
        jnp.dot(d0, w1_ref[...], precision=hi, preferred_element_type=f32)
        + c1_ref[...], 0.0)
    h = jnp.maximum(
        jnp.dot(h, w2_ref[...], precision=hi, preferred_element_type=f32)
        + c2_ref[...], 0.0)
    h = jnp.maximum(
        jnp.dot(h, w3_ref[...], precision=hi, preferred_element_type=f32)
        + c3_ref[...], 0.0)
    z = fm1 + fm2 + jnp.dot(h, wo_ref[...], precision=hi,
                            preferred_element_type=f32) + co_ref[...]
    o_ref[...] = jax.nn.sigmoid(z)


def _dense_tc(e2, e1, xd, smat, w1dT, wdT, bd2, w1p, c1, w2p, c2, w3p, c3,
              wop, co):
    BLK = 2048
    grid = (B // BLK,)
    row = lambda i: (i, 0)
    fixed = lambda i: (0, 0)
    in_specs = [
        pl.BlockSpec((BLK, ALL0), row),
        pl.BlockSpec((BLK, F), row),
        pl.BlockSpec((BLK, ND), row),
        pl.BlockSpec((ALL0, D), fixed),
        pl.BlockSpec((ND, 1), fixed),
        pl.BlockSpec((ND, ALL0), fixed),
        pl.BlockSpec((1, ALL0), fixed),
        pl.BlockSpec((ALL0, HID), fixed),
        pl.BlockSpec((1, HID), fixed),
        pl.BlockSpec((HID, HID), fixed),
        pl.BlockSpec((1, HID), fixed),
        pl.BlockSpec((HID, HID), fixed),
        pl.BlockSpec((1, HID), fixed),
        pl.BlockSpec((HID, 1), fixed),
        pl.BlockSpec((1, 1), fixed),
    ]
    return pl.pallas_call(
        _dense_body,
        grid=grid,
        in_specs=in_specs,
        out_specs=pl.BlockSpec((BLK, 1), row),
        out_shape=jax.ShapeDtypeStruct((B, 1), jnp.float32),
    )(e2, e1, xd, smat, w1dT, wdT, bd2, w1p, c1, w2p, c2, w3p, c3, wop, co)


def kernel(X_sparse, X_dense, T1, T2, W1d, b1d, Wd, bd,
           W1, b1, g1, be1, rm1, rv1,
           W2, b2, g2, be2, rm2, rv2,
           W3, b3, g3, be3, rm3, rv3,
           Wo, bo):
    xs = X_sparse.astype(jnp.int32)
    fr = jnp.arange(F, dtype=jnp.int32)[None, :]
    idx2 = (xs + fr * VP).reshape(NW, PER_W // CH, CH)
    idx1 = (xs + fr * V).reshape(NW, PER_W // CH, CH)

    t2p2d = jnp.transpose(T2, (0, 2, 1)).reshape(F * D, V)
    t2_flat = _pack_table(t2p2d).reshape(F * VP, D)
    t1_flat = T1.reshape(F * V)

    rows, scal = _sc_gather(t2_flat, t1_flat, idx2, idx1)
    e2 = rows.reshape(B, ALL0)
    e1 = scal.reshape(B, F)

    def fold(Wt, bt, g, be, rm, rv):
        s = g * jax.lax.rsqrt(rv + 1e-5)
        t = be - rm * s
        return Wt.T * s[None, :], (bt * s + t)[None, :]

    w1p, c1 = fold(W1, b1, g1, be1, rm1, rv1)
    w2p, c2 = fold(W2, b2, g2, be2, rm2, rv2)
    w3p, c3 = fold(W3, b3, g3, be3, rm3, rv3)
    smat = jnp.tile(jnp.eye(D, dtype=jnp.float32), (F, 1))
    co = (b1d + bo).reshape(1, 1)

    out = _dense_tc(e2, e1, X_dense, smat, W1d.T, Wd.T, bd.reshape(1, ALL0),
                    w1p, c1, w2p, c2, w3p, c3, Wo.T, co)
    return out.reshape(B)

# --- scband reference (transcript-rebuilt; emitter-appended) ---
"""Pipeline reference for scband-deep-fm-20710332301934 (READ-ONLY COPY).

The authoritative reference and input builder live on the scoring server;
editing this copy changes nothing except your own understanding.
"""

import jax, jax.numpy as jnp
import numpy as np

B = 16384
F = 26
V = 100000
D = 16
ND = 38
HID = 64
ALL0 = F * D


def setup_inputs(seed: int = 0) -> dict:
    key = jax.random.key(seed)
    ks = jax.random.split(key, 24)
    inp = {}
    inp["X_sparse"] = jax.random.randint(ks[0], (B, F), 0, V)
    inp["X_dense"] = jax.random.normal(ks[1], (B, ND), dtype=jnp.float32)
    # first-order embedding tables (stacked, all fields share vocab size)
    inp["T1"] = jax.random.normal(ks[2], (F, V), dtype=jnp.float32) * 0.01
    # second-order embedding tables
    inp["T2"] = jax.random.normal(ks[3], (F, V, D), dtype=jnp.float32) * 0.01
    # fm_first_order_dense: Linear(38 -> 1)
    inp["W1d"] = jax.random.normal(ks[4], (1, ND), dtype=jnp.float32) * 0.1
    inp["b1d"] = jnp.zeros((1,), dtype=jnp.float32)
    # dense_linear: Linear(38 -> F*D)
    inp["Wd"] = jax.random.normal(ks[5], (ALL0, ND), dtype=jnp.float32) * 0.1
    inp["bd"] = jnp.zeros((ALL0,), dtype=jnp.float32)
    # DNN layers
    inp["W1"] = jax.random.normal(ks[6], (HID, ALL0), dtype=jnp.float32) * 0.05
    inp["b1"] = jnp.zeros((HID,), dtype=jnp.float32)
    inp["g1"] = jnp.ones((HID,), dtype=jnp.float32)
    inp["be1"] = jnp.zeros((HID,), dtype=jnp.float32)
    inp["rm1"] = jnp.zeros((HID,), dtype=jnp.float32)
    inp["rv1"] = jnp.ones((HID,), dtype=jnp.float32)
    inp["W2"] = jax.random.normal(ks[7], (HID, HID), dtype=jnp.float32) * 0.1
    inp["b2"] = jnp.zeros((HID,), dtype=jnp.float32)
    inp["g2"] = jnp.ones((HID,), dtype=jnp.float32)
    inp["be2"] = jnp.zeros((HID,), dtype=jnp.float32)
    inp["rm2"] = jnp.zeros((HID,), dtype=jnp.float32)
    inp["rv2"] = jnp.ones((HID,), dtype=jnp.float32)
    inp["W3"] = jax.random.normal(ks[8], (HID, HID), dtype=jnp.float32) * 0.1
    inp["b3"] = jnp.zeros((HID,), dtype=jnp.float32)
    inp["g3"] = jnp.ones((HID,), dtype=jnp.float32)
    inp["be3"] = jnp.zeros((HID,), dtype=jnp.float32)
    inp["rm3"] = jnp.zeros((HID,), dtype=jnp.float32)
    inp["rv3"] = jnp.ones((HID,), dtype=jnp.float32)
    # dnn_linear: Linear(64 -> 1)
    inp["Wo"] = jax.random.normal(ks[9], (1, HID), dtype=jnp.float32) * 0.1
    inp["bo"] = jnp.zeros((1,), dtype=jnp.float32)
    return inp


def _bn_eval(x, g, be, rm, rv):
    return (x - rm) / jnp.sqrt(rv + 1e-5) * g + be


def reference(X_sparse, X_dense, T1, T2, W1d, b1d, Wd, bd,
              W1, b1, g1, be1, rm1, rv1,
              W2, b2, g2, be2, rm2, rv2,
              W3, b3, g3, be3, rm3, rv3,
              Wo, bo):
    fidx = jnp.arange(F)[None, :]  # [1, F]
    # FM first order: per-field 1-dim embedding lookups (SparseCore gather)
    emb1 = T1[fidx, X_sparse]  # [B, F]
    fm_1st_sparse = jnp.sum(emb1, axis=1, keepdims=True)  # [B, 1]
    fm_1st_dense = X_dense @ W1d.T + b1d  # [B, 1]
    fm_1st = fm_1st_sparse + fm_1st_dense
    # FM second order: per-field D-dim embedding lookups
    emb2 = T2[fidx, X_sparse]  # [B, F, D]
    sum_embed = jnp.sum(emb2, axis=1)  # [B, D]
    square_sum_embed = sum_embed * sum_embed
    sum_square_embed = jnp.sum(emb2 * emb2, axis=1)
    fm_2nd = 0.5 * jnp.sum(square_sum_embed - sum_square_embed, axis=1, keepdims=True)  # [B, 1]
    # DNN part
    dnn = emb2.reshape(X_sparse.shape[0], F * D)
    dnn = dnn + jax.nn.relu(X_dense @ Wd.T + bd)
    dnn = jax.nn.relu(_bn_eval(dnn @ W1.T + b1, g1, be1, rm1, rv1))
    dnn = jax.nn.relu(_bn_eval(dnn @ W2.T + b2, g2, be2, rm2, rv2))
    dnn = jax.nn.relu(_bn_eval(dnn @ W3.T + b3, g3, be3, rm3, rv3))
    dnn = dnn @ Wo.T + bo  # [B, 1]
    out = jax.nn.sigmoid(fm_1st + fm_2nd + dnn)
    return out.squeeze()

if __name__ == "__main__":
    import jax
    _d = setup_inputs()
    print(jax.jit(kernel)(*tuple(_d.values())))

</pallas_src>

<mosaic_0001>
#map = affine_map<(d0, d1) -> (0, 0)>
#map1 = affine_map<(d0, d1) -> (0)>
#map2 = affine_map<(d0, d1) -> (0, 0, 0)>
module attributes {stable_mosaic.version = 14 : i64} {
  func.func @k(%arg0: i32, %arg1: i32, %arg2: memref<2602496x16xf32, #tpu.memory_space<hbm>>, %arg3: memref<2600000xf32, #tpu.memory_space<hbm>>, %arg4: memref<32x104x128xi32, #tpu.memory_space<hbm>>, %arg5: memref<32x104x128xi32, #tpu.memory_space<hbm>>, %arg6: memref<425984x16xf32, #tpu.memory_space<hbm>>, %arg7: memref<425984xf32, #tpu.memory_space<hbm>>, %arg8: memref<104x128xi32, #tpu.memory_space<vmem>>, %arg9: memref<104x128xi32, #tpu.memory_space<vmem>>, %arg10: memref<512x16xf32, #tpu.memory_space<vmem>>, %arg11: memref<512xf32, #tpu.memory_space<vmem>>, %arg12: memref<!tpu.dma_semaphore, #tpu.memory_space<semaphore_mem>>) attributes {dimension_semantics = [#tpu.dimension_semantics<core_parallel>, #tpu.dimension_semantics<subcore_parallel>], iteration_bounds = array<i64: 2, 16>, scalar_prefetch = 0 : i64, scratch_operands = 5 : i64, tpu.core_type = #tpu.core_type<sc_vector_subcore>, window_params = [{transform_indices = #map}, {transform_indices = #map1}, {transform_indices = #map2}, {transform_indices = #map2}, {transform_indices = #map}, {transform_indices = #map1}]} {
    %mul3A = arith.constant 2 : i32
    %mul3A_0 = arith.muli %arg1, %mul3A : i32
    %add3A = arith.addi %mul3A_0, %arg0 : i32
    %mul3A_1 = arith.constant 13312 : i32
    %mul3A_2 = arith.muli %add3A, %mul3A_1 : i32
    "tpu.region"() ({
      %run_scoped3A = tpu.sem_alloc : memref<!tpu.dma_semaphore, #tpu.memory_space<semaphore_mem>>
      %dma_start3A = arith.constant 0 : i32
      %dma_start3A_7 = arith.constant 0 : i32
      %dma_start3A_8 = tpu.memref_slice %arg4[%add3A, %dma_start3A, %dma_start3A_7] : memref<32x104x128xi32, #tpu.memory_space<hbm>> -> memref<1x104x128xi32, #tpu.memory_space<hbm>>
      %dma_start3A_9 = tpu.memref_squeeze %dma_start3A_8 : memref<1x104x128xi32, #tpu.memory_space<hbm>> -> memref<104x128xi32, #tpu.memory_space<hbm>>
      %dma_start3A_10 = arith.constant 0 : i32
      %dma_start3A_11 = arith.constant 0 : i32
      %dma_start3A_12 = tpu.memref_slice %arg4[%add3A, %dma_start3A_10, %dma_start3A_11] : memref<32x104x128xi32, #tpu.memory_space<hbm>> -> memref<1x104x128xi32, #tpu.memory_space<hbm>>
      %dma_start3A_13 = tpu.memref_squeeze %dma_start3A_12 : memref<1x104x128xi32, #tpu.memory_space<hbm>> -> memref<104x128xi32, #tpu.memory_space<hbm>>
      tpu.enqueue_dma source(%dma_start3A_13 : memref<104x128xi32, #tpu.memory_space<hbm>>) target(%arg8 : memref<104x128xi32, #tpu.memory_space<vmem>>) target_semaphore(%run_scoped3A : memref<!tpu.dma_semaphore, #tpu.memory_space<semaphore_mem>>)
      %dma_wait3A = arith.constant 0 : i32
      %dma_wait3A_14 = arith.constant 0 : i32
      %dma_wait3A_15 = tpu.memref_slice %arg4[%add3A, %dma_wait3A, %dma_wait3A_14] : memref<32x104x128xi32, #tpu.memory_space<hbm>> -> memref<1x104x128xi32, #tpu.memory_space<hbm>>
      %dma_wait3A_16 = tpu.memref_squeeze %dma_wait3A_15 : memref<1x104x128xi32, #tpu.memory_space<hbm>> -> memref<104x128xi32, #tpu.memory_space<hbm>>
      %dma_wait3A_17 = arith.constant 0 : i32
      %dma_wait3A_18 = arith.constant 0 : i32
      %dma_wait3A_19 = tpu.memref_slice %arg4[%add3A, %dma_wait3A_17, %dma_wait3A_18] : memref<32x104x128xi32, #tpu.memory_space<hbm>> -> memref<1x104x128xi32, #tpu.memory_space<hbm>>
      %dma_wait3A_20 = tpu.memref_squeeze %dma_wait3A_19 : memref<1x104x128xi32, #tpu.memory_space<hbm>> -> memref<104x128xi32, #tpu.memory_space<hbm>>
      tpu.wait_dma2 semaphore(%run_scoped3A : memref<!tpu.dma_semaphore, #tpu.memory_space<semaphore_mem>>) src(%dma_wait3A_20 : memref<104x128xi32, #tpu.memory_space<hbm>>) dst(%arg8 : memref<104x128xi32, #tpu.memory_space<vmem>>)
      tpu.yield
    }) : () -> ()
    "tpu.region"() ({
      %run_scoped3A = tpu.sem_alloc : memref<!tpu.dma_semaphore, #tpu.memory_space<semaphore_mem>>
      %dma_start3A = arith.constant 0 : i32
      %dma_start3A_7 = arith.constant 0 : i32
      %dma_start3A_8 = tpu.memref_slice %arg5[%add3A, %dma_start3A, %dma_start3A_7] : memref<32x104x128xi32, #tpu.memory_space<hbm>> -> memref<1x104x128xi32, #tpu.memory_space<hbm>>
      %dma_start3A_9 = tpu.memref_squeeze %dma_start3A_8 : memref<1x104x128xi32, #tpu.memory_space<hbm>> -> memref<104x128xi32, #tpu.memory_space<hbm>>
      %dma_start3A_10 = arith.constant 0 : i32
      %dma_start3A_11 = arith.constant 0 : i32
      %dma_start3A_12 = tpu.memref_slice %arg5[%add3A, %dma_start3A_10, %dma_start3A_11] : memref<32x104x128xi32, #tpu.memory_space<hbm>> -> memref<1x104x128xi32, #tpu.memory_space<hbm>>
      %dma_start3A_13 = tpu.memref_squeeze %dma_start3A_12 : memref<1x104x128xi32, #tpu.memory_space<hbm>> -> memref<104x128xi32, #tpu.memory_space<hbm>>
      tpu.enqueue_dma source(%dma_start3A_13 : memref<104x128xi32, #tpu.memory_space<hbm>>) target(%arg9 : memref<104x128xi32, #tpu.memory_space<vmem>>) target_semaphore(%run_scoped3A : memref<!tpu.dma_semaphore, #tpu.memory_space<semaphore_mem>>)
      %dma_wait3A = arith.constant 0 : i32
      %dma_wait3A_14 = arith.constant 0 : i32
      %dma_wait3A_15 = tpu.memref_slice %arg5[%add3A, %dma_wait3A, %dma_wait3A_14] : memref<32x104x128xi32, #tpu.memory_space<hbm>> -> memref<1x104x128xi32, #tpu.memory_space<hbm>>
      %dma_wait3A_16 = tpu.memref_squeeze %dma_wait3A_15 : memref<1x104x128xi32, #tpu.memory_space<hbm>> -> memref<104x128xi32, #tpu.memory_space<hbm>>
      %dma_wait3A_17 = arith.constant 0 : i32
      %dma_wait3A_18 = arith.constant 0 : i32
      %dma_wait3A_19 = tpu.memref_slice %arg5[%add3A, %dma_wait3A_17, %dma_wait3A_18] : memref<32x104x128xi32, #tpu.memory_space<hbm>> -> memref<1x104x128xi32, #tpu.memory_space<hbm>>
      %dma_wait3A_20 = tpu.memref_squeeze %dma_wait3A_19 : memref<1x104x128xi32, #tpu.memory_space<hbm>> -> memref<104x128xi32, #tpu.memory_space<hbm>>
      tpu.wait_dma2 semaphore(%run_scoped3A : memref<!tpu.dma_semaphore, #tpu.memory_space<semaphore_mem>>) src(%dma_wait3A_20 : memref<104x128xi32, #tpu.memory_space<hbm>>) dst(%arg9 : memref<104x128xi32, #tpu.memory_space<vmem>>)
      tpu.yield
    }) : () -> ()
    %scan3A = arith.constant 0 : i32
    %scan3A_3 = arith.constant 26 : i32
    %scan3A_4 = arith.addi %scan3A, %scan3A_3 : i32
    %scan3A_5 = arith.constant 1 : i32
    scf.for %scan3A_7 = %scan3A to %scan3A_4 step %scan3A_5  : i32 {
      %mul3A_8 = arith.constant 4 : i32
      %mul3A_9 = arith.muli %scan3A_7, %mul3A_8 : i32
      %add3A_10 = arith.constant 0 : i32
      %add3A_11 = arith.addi %mul3A_9, %add3A_10 : i32
      %mul3A_12 = arith.constant 4 : i32
      %mul3A_13 = arith.muli %scan3A_7, %mul3A_12 : i32
      %add3A_14 = arith.constant 0 : i32
      %add3A_15 = arith.addi %mul3A_13, %add3A_14 : i32
      %mul3A_16 = arith.constant 4 : i32
      %mul3A_17 = arith.muli %scan3A_7, %mul3A_16 : i32
      %add3A_18 = arith.constant 1 : i32
      %add3A_19 = arith.addi %mul3A_17, %add3A_18 : i32
      %mul3A_20 = arith.constant 4 : i32
      %mul3A_21 = arith.muli %scan3A_7, %mul3A_20 : i32
      %add3A_22 = arith.constant 1 : i32
      %add3A_23 = arith.addi %mul3A_21, %add3A_22 : i32
      %mul3A_24 = arith.constant 4 : i32
      %mul3A_25 = arith.muli %scan3A_7, %mul3A_24 : i32
      %add3A_26 = arith.constant 2 : i32
      %add3A_27 = arith.addi %mul3A_25, %add3A_26 : i32
      %mul3A_28 = arith.constant 4 : i32
      %mul3A_29 = arith.muli %scan3A_7, %mul3A_28 : i32
      %add3A_30 = arith.constant 2 : i32
      %add3A_31 = arith.addi %mul3A_29, %add3A_30 : i32
      %mul3A_32 = arith.constant 4 : i32
      %mul3A_33 = arith.muli %scan3A_7, %mul3A_32 : i32
      %add3A_34 = arith.constant 3 : i32
      %add3A_35 = arith.addi %mul3A_33, %add3A_34 : i32
      %mul3A_36 = arith.constant 4 : i32
      %mul3A_37 = arith.muli %scan3A_7, %mul3A_36 : i32
      %add3A_38 = arith.constant 3 : i32
      %add3A_39 = arith.addi %mul3A_37, %add3A_38 : i32
      %dma_start3A = arith.constant 0 : i32
      %dma_start3A_40 = arith.constant 0 : i32
      %dma_start3A_41 = tpu.memref_slice %arg10[%dma_start3A, %dma_start3A_40] : memref<512x16xf32, #tpu.memory_space<vmem>> -> memref<128x16xf32, #tpu.memory_space<vmem>>
      %dma_start3A_42 = arith.constant 0 : i32
      %dma_start3A_43 = tpu.memref_slice %arg8[%add3A_11, %dma_start3A_42] : memref<104x128xi32, #tpu.memory_space<vmem>> -> memref<1x128xi32, #tpu.memory_space<vmem>>
      %dma_start3A_44 = tpu.memref_squeeze %dma_start3A_43 : memref<1x128xi32, #tpu.memory_space<vmem>> -> memref<128xi32, #tpu.memory_space<vmem>>
      %dma_start3A_45 = arith.constant 0 : i32
      %dma_start3A_46 = arith.constant 0 : i32
      %dma_start3A_47 = tpu.memref_slice %arg2[%dma_start3A_45, %dma_start3A_46] : memref<2602496x16xf32, #tpu.memory_space<hbm>> -> memref<2602496x16xf32, #tpu.memory_space<hbm>>
      tpu.enqueue_indirect_dma source(%dma_start3A_47 : memref<2602496x16xf32, #tpu.memory_space<hbm>>) target(%dma_start3A_41 : memref<128x16xf32, #tpu.memory_space<vmem>>) offsets(%dma_start3A_44 : memref<128xi32, #tpu.memory_space<vmem>>) semaphore(%arg12 : memref<!tpu.dma_semaphore, #tpu.memory_space<semaphore_mem>>)
      %dma_start3A_48 = arith.constant 0 : i32
      %dma_start3A_49 = tpu.memref_slice %arg11[%dma_start3A_48] : memref<512xf32, #tpu.memory_space<vmem>> -> memref<128xf32, #tpu.memory_space<vmem>>
      %dma_start3A_50 = arith.constant 0 : i32
      %dma_start3A_51 = tpu.memref_slice %arg9[%add3A_15, %dma_start3A_50] : memref<104x128xi32, #tpu.memory_space<vmem>> -> memref<1x128xi32, #tpu.memory_space<vmem>>
      %dma_start3A_52 = tpu.memref_squeeze %dma_start3A_51 : memref<1x128xi32, #tpu.memory_space<vmem>> -> memref<128xi32, #tpu.memory_space<vmem>>
      %dma_start3A_53 = arith.constant 0 : i32
      %dma_start3A_54 = tpu.memref_slice %arg3[%dma_start3A_53] : memref<2600000xf32, #tpu.memory_space<hbm>> -> memref<2600000xf32, #tpu.memory_space<hbm>>
      tpu.enqueue_indirect_dma source(%dma_start3A_54 : memref<2600000xf32, #tpu.memory_space<hbm>>) target(%dma_start3A_49 : memref<128xf32, #tpu.memory_space<vmem>>) offsets(%dma_start3A_52 : memref<128xi32, #tpu.memory_space<vmem>>) semaphore(%arg12 : memref<!tpu.dma_semaphore, #tpu.memory_space<semaphore_mem>>)
      %dma_start3A_55 = arith.constant 128 : i32
      %dma_start3A_56 = arith.constant 0 : i32
      %dma_start3A_57 = tpu.memref_slice %arg10[%dma_start3A_55, %dma_start3A_56] : memref<512x16xf32, #tpu.memory_space<vmem>> -> memref<128x16xf32, #tpu.memory_space<vmem>>
      %dma_start3A_58 = arith.constant 0 : i32
      %dma_start3A_59 = tpu.memref_slice %arg8[%add3A_19, %dma_start3A_58] : memref<104x128xi32, #tpu.memory_space<vmem>> -> memref<1x128xi32, #tpu.memory_space<vmem>>
      %dma_start3A_60 = tpu.memref_squeeze %dma_start3A_59 : memref<1x128xi32, #tpu.memory_space<vmem>> -> memref<128xi32, #tpu.memory_space<vmem>>
      %dma_start3A_61 = arith.constant 0 : i32
      %dma_start3A_62 = arith.constant 0 : i32
      %dma_start3A_63 = tpu.memref_slice %arg2[%dma_start3A_61, %dma_start3A_62] : memref<2602496x16xf32, #tpu.memory_space<hbm>> -> memref<2602496x16xf32, #tpu.memory_space<hbm>>
      tpu.enqueue_indirect_dma source(%dma_start3A_63 : memref<2602496x16xf32, #tpu.memory_space<hbm>>) target(%dma_start3A_57 : memref<128x16xf32, #tpu.memory_space<vmem>>) offsets(%dma_start3A_60 : memref<128xi32, #tpu.memory_space<vmem>>) semaphore(%arg12 : memref<!tpu.dma_semaphore, #tpu.memory_space<semaphore_mem>>)
      %dma_start3A_64 = arith.constant 128 : i32
      %dma_start3A_65 = tpu.memref_slice %arg11[%dma_start3A_64] : memref<512xf32, #tpu.memory_space<vmem>> -> memref<128xf32, #tpu.memory_space<vmem>>
      %dma_start3A_66 = arith.constant 0 : i32
      %dma_start3A_67 = tpu.memref_slice %arg9[%add3A_23, %dma_start3A_66] : memref<104x128xi32, #tpu.memory_space<vmem>> -> memref<1x128xi32, #tpu.memory_space<vmem>>
      %dma_start3A_68 = tpu.memref_squeeze %dma_start3A_67 : memref<1x128xi32, #tpu.memory_space<vmem>> -> memref<128xi32, #tpu.memory_space<vmem>>
      %dma_start3A_69 = arith.constant 0 : i32
      %dma_start3A_70 = tpu.memref_slice %arg3[%dma_start3A_69] : memref<2600000xf32, #tpu.memory_space<hbm>> -> memref<2600000xf32, #tpu.memory_space<hbm>>
      tpu.enqueue_indirect_dma source(%dma_start3A_70 : memref<2600000xf32, #tpu.memory_space<hbm>>) target(%dma_start3A_65 : memref<128xf32, #tpu.memory_space<vmem>>) offsets(%dma_start3A_68 : memref<128xi32, #tpu.memory_space<vmem>>) semaphore(%arg12 : memref<!tpu.dma_semaphore, #tpu.memory_space<semaphore_mem>>)
      %dma_start3A_71 = arith.constant 256 : i32
      %dma_start3A_72 = arith.constant 0 : i32
      %dma_start3A_73 = tpu.memref_slice %arg10[%dma_start3A_71, %dma_start3A_72] : memref<512x16xf32, #tpu.memory_space<vmem>> -> memref<128x16xf32, #tpu.memory_space<vmem>>
      %dma_start3A_74 = arith.constant 0 : i32
      %dma_start3A_75 = tpu.memref_slice %arg8[%add3A_27, %dma_start3A_74] : memref<104x128xi32, #tpu.memory_space<vmem>> -> memref<1x128xi32, #tpu.memory_space<vmem>>
      %dma_start3A_76 = tpu.memref_squeeze %dma_start3A_75 : memref<1x128xi32, #tpu.memory_space<vmem>> -> memref<128xi32, #tpu.memory_space<vmem>>
      %dma_start3A_77 = arith.constant 0 : i32
      %dma_start3A_78 = arith.constant 0 : i32
      %dma_start3A_79 = tpu.memref_slice %arg2[%dma_start3A_77, %dma_start3A_78] : memref<2602496x16xf32, #tpu.memory_space<hbm>> -> memref<2602496x16xf32, #tpu.memory_space<hbm>>
      tpu.enqueue_indirect_dma source(%dma_start3A_79 : memref<2602496x16xf32, #tpu.memory_space<hbm>>) target(%dma_start3A_73 : memref<128x16xf32, #tpu.memory_space<vmem>>) offsets(%dma_start3A_76 : memref<128xi32, #tpu.memory_space<vmem>>) semaphore(%arg12 : memref<!tpu.dma_semaphore, #tpu.memory_space<semaphore_mem>>)
      %dma_start3A_80 = arith.constant 256 : i32
      %dma_start3A_81 = tpu.memref_slice %arg11[%dma_start3A_80] : memref<512xf32, #tpu.memory_space<vmem>> -> memref<128xf32, #tpu.memory_space<vmem>>
      %dma_start3A_82 = arith.constant 0 : i32
      %dma_start3A_83 = tpu.memref_slice %arg9[%add3A_31, %dma_start3A_82] : memref<104x128xi32, #tpu.memory_space<vmem>> -> memref<1x128xi32, #tpu.memory_space<vmem>>
      %dma_start3A_84 = tpu.memref_squeeze %dma_start3A_83 : memref<1x128xi32, #tpu.memory_space<vmem>> -> memref<128xi32, #tpu.memory_space<vmem>>
      %dma_start3A_85 = arith.constant 0 : i32
      %dma_start3A_86 = tpu.memref_slice %arg3[%dma_start3A_85] : memref<2600000xf32, #tpu.memory_space<hbm>> -> memref<2600000xf32, #tpu.memory_space<hbm>>
      tpu.enqueue_indirect_dma source(%dma_start3A_86 : memref<2600000xf32, #tpu.memory_space<hbm>>) target(%dma_start3A_81 : memref<128xf32, #tpu.memory_space<vmem>>) offsets(%dma_start3A_84 : memref<128xi32, #tpu.memory_space<vmem>>) semaphore(%arg12 : memref<!tpu.dma_semaphore, #tpu.memory_space<semaphore_mem>>)
      %dma_start3A_87 = arith.constant 384 : i32
      %dma_start3A_88 = arith.constant 0 : i32
      %dma_start3A_89 = tpu.memref_slice %arg10[%dma_start3A_87, %dma_start3A_88] : memref<512x16xf32, #tpu.memory_space<vmem>> -> memref<128x16xf32, #tpu.memory_space<vmem>>
      %dma_start3A_90 = arith.constant 0 : i32
      %dma_start3A_91 = tpu.memref_slice %arg8[%add3A_35, %dma_start3A_90] : memref<104x128xi32, #tpu.memory_space<vmem>> -> memref<1x128xi32, #tpu.memory_space<vmem>>
      %dma_start3A_92 = tpu.memref_squeeze %dma_start3A_91 : memref<1x128xi32, #tpu.memory_space<vmem>> -> memref<128xi32, #tpu.memory_space<vmem>>
      %dma_start3A_93 = arith.constant 0 : i32
      %dma_start3A_94 = arith.constant 0 : i32
      %dma_start3A_95 = tpu.memref_slice %arg2[%dma_start3A_93, %dma_start3A_94] : memref<2602496x16xf32, #tpu.memory_space<hbm>> -> memref<2602496x16xf32, #tpu.memory_space<hbm>>
      tpu.enqueue_indirect_dma source(%dma_start3A_95 : memref<2602496x16xf32, #tpu.memory_space<hbm>>) target(%dma_start3A_89 : memref<128x16xf32, #tpu.memory_space<vmem>>) offsets(%dma_start3A_92 : memref<128xi32, #tpu.memory_space<vmem>>) semaphore(%arg12 : memref<!tpu.dma_semaphore, #tpu.memory_space<semaphore_mem>>)
      %dma_start3A_96 = arith.constant 384 : i32
      %dma_start3A_97 = tpu.memref_slice %arg11[%dma_start3A_96] : memref<512xf32, #tpu.memory_space<vmem>> -> memref<128xf32, #tpu.memory_space<vmem>>
      %dma_start3A_98 = arith.constant 0 : i32
      %dma_start3A_99 = tpu.memref_slice %arg9[%add3A_39, %dma_start3A_98] : memref<104x128xi32, #tpu.memory_space<vmem>> -> memref<1x128xi32, #tpu.memory_space<vmem>>
      %dma_start3A_100 = tpu.memref_squeeze %dma_start3A_99 : memref<1x128xi32, #tpu.memory_space<vmem>> -> memref<128xi32, #tpu.memory_space<vmem>>
      %dma_start3A_101 = arith.constant 0 : i32
      %dma_start3A_102 = tpu.memref_slice %arg3[%dma_start3A_101] : memref<2600000xf32, #tpu.memory_space<hbm>> -> memref<2600000xf32, #tpu.memory_space<hbm>>
      tpu.enqueue_indirect_dma source(%dma_start3A_102 : memref<2600000xf32, #tpu.memory_space<hbm>>) target(%dma_start3A_97 : memref<128xf32, #tpu.memory_space<vmem>>) offsets(%dma_start3A_100 : memref<128xi32, #tpu.memory_space<vmem>>) semaphore(%arg12 : memref<!tpu.dma_semaphore, #tpu.memory_space<semaphore_mem>>)
      %dma_wait3A = arith.constant 0 : i32
      %dma_wait3A_103 = arith.constant 0 : i32
      %dma_wait3A_104 = tpu.memref_slice %arg10[%dma_wait3A, %dma_wait3A_103] : memref<512x16xf32, #tpu.memory_space<vmem>> -> memref<128x16xf32, #tpu.memory_space<vmem>>
      %dma_wait3A_105 = arith.constant 0 : i32
      %dma_wait3A_106 = tpu.memref_slice %arg8[%add3A_11, %dma_wait3A_105] : memref<104x128xi32, #tpu.memory_space<vmem>> -> memref<1x128xi32, #tpu.memory_space<vmem>>
      %dma_wait3A_107 = tpu.memref_squeeze %dma_wait3A_106 : memref<1x128xi32, #tpu.memory_space<vmem>> -> memref<128xi32, #tpu.memory_space<vmem>>
      %dma_wait3A_108 = arith.constant 0 : i32
      %dma_wait3A_109 = arith.constant 0 : i32
      %dma_wait3A_110 = tpu.memref_slice %arg2[%dma_wait3A_108, %dma_wait3A_109] : memref<2602496x16xf32, #tpu.memory_space<hbm>> -> memref<2602496x16xf32, #tpu.memory_space<hbm>>
      tpu.wait_indirect_dma semaphore(%arg12 : memref<!tpu.dma_semaphore, #tpu.memory_space<semaphore_mem>>) src(%dma_wait3A_110 : memref<2602496x16xf32, #tpu.memory_space<hbm>>) dst(%dma_wait3A_104 : memref<128x16xf32, #tpu.memory_space<vmem>>)
      %dma_wait3A_111 = arith.constant 0 : i32
      %dma_wait3A_112 = tpu.memref_slice %arg11[%dma_wait3A_111] : memref<512xf32, #tpu.memory_space<vmem>> -> memref<128xf32, #tpu.memory_space<vmem>>
      %dma_wait3A_113 = arith.constant 0 : i32
      %dma_wait3A_114 = tpu.memref_slice %arg9[%add3A_15, %dma_wait3A_113] : memref<104x128xi32, #tpu.memory_space<vmem>> -> memref<1x128xi32, #tpu.memory_space<vmem>>
      %dma_wait3A_115 = tpu.memref_squeeze %dma_wait3A_114 : memref<1x128xi32, #tpu.memory_space<vmem>> -> memref<128xi32, #tpu.memory_space<vmem>>
      %dma_wait3A_116 = arith.constant 0 : i32
      %dma_wait3A_117 = tpu.memref_slice %arg3[%dma_wait3A_116] : memref<2600000xf32, #tpu.memory_space<hbm>> -> memref<2600000xf32, #tpu.memory_space<hbm>>
      tpu.wait_indirect_dma semaphore(%arg12 : memref<!tpu.dma_semaphore, #tpu.memory_space<semaphore_mem>>) src(%dma_wait3A_117 : memref<2600000xf32, #tpu.memory_space<hbm>>) dst(%dma_wait3A_112 : memref<128xf32, #tpu.memory_space<vmem>>)
      %dma_wait3A_118 = arith.constant 128 : i32
      %dma_wait3A_119 = arith.constant 0 : i32
      %dma_wait3A_120 = tpu.memref_slice %arg10[%dma_wait3A_118, %dma_wait3A_119] : memref<512x16xf32, #tpu.memory_space<vmem>> -> memref<128x16xf32, #tpu.memory_space<vmem>>
      %dma_wait3A_121 = arith.constant 0 : i32
      %dma_wait3A_122 = tpu.memref_slice %arg8[%add3A_19, %dma_wait3A_121] : memref<104x128xi32, #tpu.memory_space<vmem>> -> memref<1x128xi32, #tpu.memory_space<vmem>>
      %dma_wait3A_123 = tpu.memref_squeeze %dma_wait3A_122 : memref<1x128xi32, #tpu.memory_space<vmem>> -> memref<128xi32, #tpu.memory_space<vmem>>
      %dma_wait3A_124 = arith.constant 0 : i32
      %dma_wait3A_125 = arith.constant 0 : i32
      %dma_wait3A_126 = tpu.memref_slice %arg2[%dma_wait3A_124, %dma_wait3A_125] : memref<2602496x16xf32, #tpu.memory_space<hbm>> -> memref<2602496x16xf32, #tpu.memory_space<hbm>>
      tpu.wait_indirect_dma semaphore(%arg12 : memref<!tpu.dma_semaphore, #tpu.memory_space<semaphore_mem>>) src(%dma_wait3A_126 : memref<2602496x16xf32, #tpu.memory_space<hbm>>) dst(%dma_wait3A_120 : memref<128x16xf32, #tpu.memory_space<vmem>>)
      %dma_wait3A_127 = arith.constant 128 : i32
      %dma_wait3A_128 = tpu.memref_slice %arg11[%dma_wait3A_127] : memref<512xf32, #tpu.memory_space<vmem>> -> memref<128xf32, #tpu.memory_space<vmem>>
      %dma_wait3A_129 = arith.constant 0 : i32
      %dma_wait3A_130 = tpu.memref_slice %arg9[%add3A_23, %dma_wait3A_129] : memref<104x128xi32, #tpu.memory_space<vmem>> -> memref<1x128xi32, #tpu.memory_space<vmem>>
      %dma_wait3A_131 = tpu.memref_squeeze %dma_wait3A_130 : memref<1x128xi32, #tpu.memory_space<vmem>> -> memref<128xi32, #tpu.memory_space<vmem>>
      %dma_wait3A_132 = arith.constant 0 : i32
      %dma_wait3A_133 = tpu.memref_slice %arg3[%dma_wait3A_132] : memref<2600000xf32, #tpu.memory_space<hbm>> -> memref<2600000xf32, #tpu.memory_space<hbm>>
      tpu.wait_indirect_dma semaphore(%arg12 : memref<!tpu.dma_semaphore, #tpu.memory_space<semaphore_mem>>) src(%dma_wait3A_133 : memref<2600000xf32, #tpu.memory_space<hbm>>) dst(%dma_wait3A_128 : memref<128xf32, #tpu.memory_space<vmem>>)
      %dma_wait3A_134 = arith.constant 256 : i32
      %dma_wait3A_135 = arith.constant 0 : i32
      %dma_wait3A_136 = tpu.memref_slice %arg10[%dma_wait3A_134, %dma_wait3A_135] : memref<512x16xf32, #tpu.memory_space<vmem>> -> memref<128x16xf32, #tpu.memory_space<vmem>>
      %dma_wait3A_137 = arith.constant 0 : i32
      %dma_wait3A_138 = tpu.memref_slice %arg8[%add3A_27, %dma_wait3A_137] : memref<104x128xi32, #tpu.memory_space<vmem>> -> memref<1x128xi32, #tpu.memory_space<vmem>>
      %dma_wait3A_139 = tpu.memref_squeeze %dma_wait3A_138 : memref<1x128xi32, #tpu.memory_space<vmem>> -> memref<128xi32, #tpu.memory_space<vmem>>
      %dma_wait3A_140 = arith.constant 0 : i32
      %dma_wait3A_141 = arith.constant 0 : i32
      %dma_wait3A_142 = tpu.memref_slice %arg2[%dma_wait3A_140, %dma_wait3A_141] : memref<2602496x16xf32, #tpu.memory_space<hbm>> -> memref<2602496x16xf32, #tpu.memory_space<hbm>>
      tpu.wait_indirect_dma semaphore(%arg12 : memref<!tpu.dma_semaphore, #tpu.memory_space<semaphore_mem>>) src(%dma_wait3A_142 : memref<2602496x16xf32, #tpu.memory_space<hbm>>) dst(%dma_wait3A_136 : memref<128x16xf32, #tpu.memory_space<vmem>>)
      %dma_wait3A_143 = arith.constant 256 : i32
      %dma_wait3A_144 = tpu.memref_slice %arg11[%dma_wait3A_143] : memref<512xf32, #tpu.memory_space<vmem>> -> memref<128xf32, #tpu.memory_space<vmem>>
      %dma_wait3A_145 = arith.constant 0 : i32
      %dma_wait3A_146 = tpu.memref_slice %arg9[%add3A_31, %dma_wait3A_145] : memref<104x128xi32, #tpu.memory_space<vmem>> -> memref<1x128xi32, #tpu.memory_space<vmem>>
      %dma_wait3A_147 = tpu.memref_squeeze %dma_wait3A_146 : memref<1x128xi32, #tpu.memory_space<vmem>> -> memref<128xi32, #tpu.memory_space<vmem>>
      %dma_wait3A_148 = arith.constant 0 : i32
      %dma_wait3A_149 = tpu.memref_slice %arg3[%dma_wait3A_148] : memref<2600000xf32, #tpu.memory_space<hbm>> -> memref<2600000xf32, #tpu.memory_space<hbm>>
      tpu.wait_indirect_dma semaphore(%arg12 : memref<!tpu.dma_semaphore, #tpu.memory_space<semaphore_mem>>) src(%dma_wait3A_149 : memref<2600000xf32, #tpu.memory_space<hbm>>) dst(%dma_wait3A_144 : memref<128xf32, #tpu.memory_space<vmem>>)
      %dma_wait3A_150 = arith.constant 384 : i32
      %dma_wait3A_151 = arith.constant 0 : i32
      %dma_wait3A_152 = tpu.memref_slice %arg10[%dma_wait3A_150, %dma_wait3A_151] : memref<512x16xf32, #tpu.memory_space<vmem>> -> memref<128x16xf32, #tpu.memory_space<vmem>>
      %dma_wait3A_153 = arith.constant 0 : i32
      %dma_wait3A_154 = tpu.memref_slice %arg8[%add3A_35, %dma_wait3A_153] : memref<104x128xi32, #tpu.memory_space<vmem>> -> memref<1x128xi32, #tpu.memory_space<vmem>>
      %dma_wait3A_155 = tpu.memref_squeeze %dma_wait3A_154 : memref<1x128xi32, #tpu.memory_space<vmem>> -> memref<128xi32, #tpu.memory_space<vmem>>
      %dma_wait3A_156 = arith.constant 0 : i32
      %dma_wait3A_157 = arith.constant 0 : i32
      %dma_wait3A_158 = tpu.memref_slice %arg2[%dma_wait3A_156, %dma_wait3A_157] : memref<2602496x16xf32, #tpu.memory_space<hbm>> -> memref<2602496x16xf32, #tpu.memory_space<hbm>>
      tpu.wait_indirect_dma semaphore(%arg12 : memref<!tpu.dma_semaphore, #tpu.memory_space<semaphore_mem>>) src(%dma_wait3A_158 : memref<2602496x16xf32, #tpu.memory_space<hbm>>) dst(%dma_wait3A_152 : memref<128x16xf32, #tpu.memory_space<vmem>>)
      %dma_wait3A_159 = arith.constant 384 : i32
      %dma_wait3A_160 = tpu.memref_slice %arg11[%dma_wait3A_159] : memref<512xf32, #tpu.memory_space<vmem>> -> memref<128xf32, #tpu.memory_space<vmem>>
      %dma_wait3A_161 = arith.constant 0 : i32
      %dma_wait3A_162 = tpu.memref_slice %arg9[%add3A_39, %dma_wait3A_161] : memref<104x128xi32, #tpu.memory_space<vmem>> -> memref<1x128xi32, #tpu.memory_space<vmem>>
      %dma_wait3A_163 = tpu.memref_squeeze %dma_wait3A_162 : memref<1x128xi32, #tpu.memory_space<vmem>> -> memref<128xi32, #tpu.memory_space<vmem>>
      %dma_wait3A_164 = arith.constant 0 : i32
      %dma_wait3A_165 = tpu.memref_slice %arg3[%dma_wait3A_164] : memref<2600000xf32, #tpu.memory_space<hbm>> -> memref<2600000xf32, #tpu.memory_space<hbm>>
      tpu.wait_indirect_dma semaphore(%arg12 : memref<!tpu.dma_semaphore, #tpu.memory_space<semaphore_mem>>) src(%dma_wait3A_165 : memref<2600000xf32, #tpu.memory_space<hbm>>) dst(%dma_wait3A_160 : memref<128xf32, #tpu.memory_space<vmem>>)
      %mul3A_166 = arith.constant 512 : i32
      %mul3A_167 = arith.muli %scan3A_7, %mul3A_166 : i32
      %add3A_168 = arith.addi %mul3A_2, %mul3A_167 : i32
      "tpu.region"() ({
        %run_scoped3A = tpu.sem_alloc : memref<!tpu.dma_semaphore, #tpu.memory_space<semaphore_mem>>
        %dma_start3A_169 = arith.constant 0 : i32
        %dma_start3A_170 = tpu.memref_slice %arg6[%add3A_168, %dma_start3A_169] : memref<425984x16xf32, #tpu.memory_space<hbm>> -> memref<512x16xf32, #tpu.memory_space<hbm>>
        %dma_start3A_171 = arith.constant 0 : i32
        %dma_start3A_172 = tpu.memref_slice %arg6[%add3A_168, %dma_start3A_171] : memref<425984x16xf32, #tpu.memory_space<hbm>> -> memref<512x16xf32, #tpu.memory_space<hbm>>
        tpu.enqueue_dma source(%arg10 : memref<512x16xf32, #tpu.memory_space<vmem>>) target(%dma_start3A_172 : memref<512x16xf32, #tpu.memory_space<hbm>>) target_semaphore(%run_scoped3A : memref<!tpu.dma_semaphore, #tpu.memory_space<semaphore_mem>>)
        %dma_wait3A_173 = arith.constant 0 : i32
        %dma_wait3A_174 = tpu.memref_slice %arg6[%add3A_168, %dma_wait3A_173] : memref<425984x16xf32, #tpu.memory_space<hbm>> -> memref<512x16xf32, #tpu.memory_space<hbm>>
        %dma_wait3A_175 = arith.constant 0 : i32
        %dma_wait3A_176 = tpu.memref_slice %arg6[%add3A_168, %dma_wait3A_175] : memref<425984x16xf32, #tpu.memory_space<hbm>> -> memref<512x16xf32, #tpu.memory_space<hbm>>
        tpu.wait_dma2 semaphore(%run_scoped3A : memref<!tpu.dma_semaphore, #tpu.memory_space<semaphore_mem>>) src(%arg10 : memref<512x16xf32, #tpu.memory_space<vmem>>) dst(%dma_wait3A_176 : memref<512x16xf32, #tpu.memory_space<hbm>>)
        tpu.yield
      }) : () -> ()
      "tpu.region"() ({
        %run_scoped3A = tpu.sem_alloc : memref<!tpu.dma_semaphore, #tpu.memory_space<semaphore_mem>>
        %dma_start3A_169 = tpu.memref_slice %arg7[%add3A_168] : memref<425984xf32, #tpu.memory_space<hbm>> -> memref<512xf32, #tpu.memory_space<hbm>>
        %dma_start3A_170 = tpu.memref_slice %arg7[%add3A_168] : memref<425984xf32, #tpu.memory_space<hbm>> -> memref<512xf32, #tpu.memory_space<hbm>>
        tpu.enqueue_dma source(%arg11 : memref<512xf32, #tpu.memory_space<vmem>>) target(%dma_start3A_170 : memref<512xf32, #tpu.memory_space<hbm>>) target_semaphore(%run_scoped3A : memref<!tpu.dma_semaphore, #tpu.memory_space<semaphore_mem>>)
        %dma_wait3A_171 = tpu.memref_slice %arg7[%add3A_168] : memref<425984xf32, #tpu.memory_space<hbm>> -> memref<512xf32, #tpu.memory_space<hbm>>
        %dma_wait3A_172 = tpu.memref_slice %arg7[%add3A_168] : memref<425984xf32, #tpu.memory_space<hbm>> -> memref<512xf32, #tpu.memory_space<hbm>>
        tpu.wait_dma2 semaphore(%run_scoped3A : memref<!tpu.dma_semaphore, #tpu.memory_space<semaphore_mem>>) src(%arg11 : memref<512xf32, #tpu.memory_space<vmem>>) dst(%dma_wait3A_172 : memref<512xf32, #tpu.memory_space<hbm>>)
        tpu.yield
      }) : () -> ()
    }
    %scan3A_6 = arith.constant 26 : i32
    return
  }
}

module attributes {stable_mosaic.version = 14 : i64} {
  func.func @_pack_body(%arg0: i32, %arg1: i32, %arg2: memref<16x5888xf32, #tpu.memory_space<vmem>>, %arg3: memref<94208xf32, #tpu.memory_space<vmem>>) attributes {dimension_semantics = [#tpu.dimension_semantics<arbitrary>, #tpu.dimension_semantics<arbitrary>], iteration_bounds = array<i64: 26, 17>, scalar_prefetch = 0 : i64, scratch_operands = 0 : i64, tpu.core_type = #tpu.core_type<tc>, window_params = [{transform_indices = @transform_0, window_bounds = array<i64: 16, 5888>}, {transform_indices = @transform_1, window_bounds = array<i64: 94208>}]} {
    %get3A = arith.constant 0 : index
    %get3A_0 = arith.constant 0 : index
    %get3A_1 = vector.load %arg2[%get3A, %get3A_0] : memref<16x5888xf32, #tpu.memory_space<vmem>>, vector<16x5888xf32>
    %transpose3A = tpu.transpose %get3A_1, [1, 0] : vector<16x5888xf32> -> vector<5888x16xf32>
    %reshape3A = vector.shape_cast %transpose3A : vector<5888x16xf32> to vector<736x8x16xf32>
    %slice3A = vector.extract_strided_slice %reshape3A {offsets = [0, 0, 0], sizes = [736, 1, 16], strides = [1, 1, 1]} : vector<736x8x16xf32> to vector<736x1x16xf32>
    %squeeze3A = vector.shape_cast %slice3A : vector<736x1x16xf32> to vector<736x16xf32>
    %slice3A_2 = vector.extract_strided_slice %reshape3A {offsets = [0, 1, 0], sizes = [736, 1, 16], strides = [1, 1, 1]} : vector<736x8x16xf32> to vector<736x1x16xf32>
    %squeeze3A_3 = vector.shape_cast %slice3A_2 : vector<736x1x16xf32> to vector<736x16xf32>
    %slice3A_4 = vector.extract_strided_slice %reshape3A {offsets = [0, 2, 0], sizes = [736, 1, 16], strides = [1, 1, 1]} : vector<736x8x16xf32> to vector<736x1x16xf32>
    %squeeze3A_5 = vector.shape_cast %slice3A_4 : vector<736x1x16xf32> to vector<736x16xf32>
    %slice3A_6 = vector.extract_strided_slice %reshape3A {offsets = [0, 3, 0], sizes = [736, 1, 16], strides = [1, 1, 1]} : vector<736x8x16xf32> to vector<736x1x16xf32>
    %squeeze3A_7 = vector.shape_cast %slice3A_6 : vector<736x1x16xf32> to vector<736x16xf32>
    %slice3A_8 = vector.extract_strided_slice %reshape3A {offsets = [0, 4, 0], sizes = [736, 1, 16], strides = [1, 1, 1]} : vector<736x8x16xf32> to vector<736x1x16xf32>
    %squeeze3A_9 = vector.shape_cast %slice3A_8 : vector<736x1x16xf32> to vector<736x16xf32>
    %slice3A_10 = vector.extract_strided_slice %reshape3A {offsets = [0, 5, 0], sizes = [736, 1, 16], strides = [1, 1, 1]} : vector<736x8x16xf32> to vector<736x1x16xf32>
    %squeeze3A_11 = vector.shape_cast %slice3A_10 : vector<736x1x16xf32> to vector<736x16xf32>
    %slice3A_12 = vector.extract_strided_slice %reshape3A {offsets = [0, 6, 0], sizes = [736, 1, 16], strides = [1, 1, 1]} : vector<736x8x16xf32> to vector<736x1x16xf32>
    %squeeze3A_13 = vector.shape_cast %slice3A_12 : vector<736x1x16xf32> to vector<736x16xf32>
    %slice3A_14 = vector.extract_strided_slice %reshape3A {offsets = [0, 7, 0], sizes = [736, 1, 16], strides = [1, 1, 1]} : vector<736x8x16xf32> to vector<736x1x16xf32>
    %squeeze3A_15 = vector.shape_cast %slice3A_14 : vector<736x1x16xf32> to vector<736x16xf32>
    %concatenate3A = tpu.concatenate %squeeze3A, %squeeze3A_3, %squeeze3A_5, %squeeze3A_7, %squeeze3A_9, %squeeze3A_11, %squeeze3A_13, %squeeze3A_15 in 1 : vector<736x16xf32>, vector<736x16xf32>, vector<736x16xf32>, vector<736x16xf32>, vector<736x16xf32>, vector<736x16xf32>, vector<736x16xf32>, vector<736x16xf32> -> vector<736x128xf32>
    %reshape3A_16 = vector.shape_cast %concatenate3A : vector<736x128xf32> to vector<94208xf32>
    %swap3A = arith.constant 0 : index
    %swap3A_17 = vector.load %arg3[%swap3A] : memref<94208xf32, #tpu.memory_space<vmem>>, vector<94208xf32>
    tpu.vector_store %arg3[%swap3A], %reshape3A_16 {strides = array<i32>} : memref<94208xf32, #tpu.memory_space<vmem>>, vector<94208xf32>,
    return
  }
  func.func @transform_0(%arg0: i32, %arg1: i32) -> (i32, i32) {
    %c0_i32 = arith.constant 0 : i32
    return %arg0, %arg1 : i32, i32
  }
  func.func @transform_1(%arg0: i32, %arg1: i32) -> i32 {
    %mul3A = arith.constant 17 : i32
    %mul3A_0 = arith.muli %arg0, %mul3A : i32
    %add3A = arith.addi %mul3A_0, %arg1 : i32
    %c0_i32 = arith.constant 0 : i32
    return %add3A : i32
  }
}

module attributes {stable_mosaic.version = 14 : i64} {
  func.func @_dense_body(%arg0: i32, %arg1: memref<2048x416xf32, #tpu.memory_space<vmem>>, %arg2: memref<2048x26xf32, #tpu.memory_space<vmem>>, %arg3: memref<2048x38xf32, #tpu.memory_space<vmem>>, %arg4: memref<416x16xf32, #tpu.memory_space<vmem>>, %arg5: memref<38x1xf32, #tpu.memory_space<vmem>>, %arg6: memref<38x416xf32, #tpu.memory_space<vmem>>, %arg7: memref<1x416xf32, #tpu.memory_space<vmem>>, %arg8: memref<416x64xf32, #tpu.memory_space<vmem>>, %arg9: memref<1x64xf32, #tpu.memory_space<vmem>>, %arg10: memref<64x64xf32, #tpu.memory_space<vmem>>, %arg11: memref<1x64xf32, #tpu.memory_space<vmem>>, %arg12: memref<64x64xf32, #tpu.memory_space<vmem>>, %arg13: memref<1x64xf32, #tpu.memory_space<vmem>>, %arg14: memref<64x1xf32, #tpu.memory_space<vmem>>, %arg15: memref<1x1xf32, #tpu.memory_space<vmem>>, %arg16: memref<2048x1xf32, #tpu.memory_space<vmem>>) attributes {dimension_semantics = [#tpu.dimension_semantics<arbitrary>], iteration_bounds = array<i64: 8>, scalar_prefetch = 0 : i64, scratch_operands = 0 : i64, tpu.core_type = #tpu.core_type<tc>, window_params = [{transform_indices = @transform_0, window_bounds = array<i64: 2048, 416>}, {transform_indices = @transform_1, window_bounds = array<i64: 2048, 26>}, {transform_indices = @transform_2, window_bounds = array<i64: 2048, 38>}, {pipeline_mode = #tpu.pipeline_mode<synchronous>, transform_indices = @transform_3, window_bounds = array<i64: 416, 16>}, {pipeline_mode = #tpu.pipeline_mode<synchronous>, transform_indices = @transform_4, window_bounds = array<i64: 38, 1>}, {pipeline_mode = #tpu.pipeline_mode<synchronous>, transform_indices = @transform_5, window_bounds = array<i64: 38, 416>}, {pipeline_mode = #tpu.pipeline_mode<synchronous>, transform_indices = @transform_6, window_bounds = array<i64: 1, 416>}, {pipeline_mode = #tpu.pipeline_mode<synchronous>, transform_indices = @transform_7, window_bounds = array<i64: 416, 64>}, {pipeline_mode = #tpu.pipeline_mode<synchronous>, transform_indices = @transform_8, window_bounds = array<i64: 1, 64>}, {pipeline_mode = #tpu.pipeline_mode<synchronous>, transform_indices = @transform_9, window_bounds = array<i64: 64, 64>}, {pipeline_mode = #tpu.pipeline_mode<synchronous>, transform_indices = @transform_10, window_bounds = array<i64: 1, 64>}, {pipeline_mode = #tpu.pipeline_mode<synchronous>, transform_indices = @transform_11, window_bounds = array<i64: 64, 64>}, {pipeline_mode = #tpu.pipeline_mode<synchronous>, transform_indices = @transform_12, window_bounds = array<i64: 1, 64>}, {pipeline_mode = #tpu.pipeline_mode<synchronous>, transform_indices = @transform_13, window_bounds = array<i64: 64, 1>}, {pipeline_mode = #tpu.pipeline_mode<synchronous>, transform_indices = @transform_14, window_bounds = array<i64: 1, 1>}, {transform_indices = @transform_15, window_bounds = array<i64: 2048, 1>}]} {
    %get3A = arith.constant 0 : index
    %get3A_0 = arith.constant 0 : index
    %get3A_1 = vector.load %arg1[%get3A, %get3A_0] : memref<2048x416xf32, #tpu.memory_space<vmem>>, vector<2048x416xf32>
    %get3A_2 = arith.constant 0 : index
    %get3A_3 = arith.constant 0 : index
    %get3A_4 = vector.load %arg2[%get3A_2, %get3A_3] : memref<2048x26xf32, #tpu.memory_space<vmem>>, vector<2048x26xf32>
    %get3A_5 = arith.constant 0 : index
    %get3A_6 = arith.constant 0 : index
    %get3A_7 = vector.load %arg3[%get3A_5, %get3A_6] : memref<2048x38xf32, #tpu.memory_space<vmem>>, vector<2048x38xf32>
    %get3A_8 = arith.constant 0 : index
    %get3A_9 = arith.constant 0 : index
    %get3A_10 = vector.load %arg4[%get3A_8, %get3A_9] : memref<416x16xf32, #tpu.memory_space<vmem>>, vector<416x16xf32>
    %reduce_sum3A = arith.constant dense<0.000000e+00> : vector<2048xf32>
    %reduce_sum3A_11 = vector.multi_reduction <add>, %get3A_4, %reduce_sum3A [1] : vector<2048x26xf32> to vector<2048xf32>
    %broadcast_in_dim3A = vector.shape_cast %reduce_sum3A_11 : vector<2048xf32> to vector<2048x1xf32>
    %get3A_12 = arith.constant 0 : index
    %get3A_13 = arith.constant 0 : index
    %get3A_14 = vector.load %arg5[%get3A_12, %get3A_13] : memref<38x1xf32, #tpu.memory_space<vmem>>, vector<38x1xf32>
    %dot_general3A = arith.constant dense<0.000000e+00> : vector<2048x1xf32>
    %dot_general3A_15 = tpu.matmul %get3A_7, %get3A_14, %dot_general3A {dimension_numbers = #tpu.dot_dimension_numbers<[1], [0], [0], [1], [0, 0, 1, 1], [], []>, transpose_lhs_hint = false} : vector<2048x38xf32>, vector<38x1xf32>, vector<2048x1xf32> -> vector<2048x1xf32>
    %add3A = arith.addf %broadcast_in_dim3A, %dot_general3A_15 : vector<2048x1xf32>
    %dot_general3A_16 = arith.constant dense<0.000000e+00> : vector<2048x16xf32>
    %dot_general3A_17 = tpu.matmul %get3A_1, %get3A_10, %dot_general3A_16 {dimension_numbers = #tpu.dot_dimension_numbers<[1], [0], [0], [1], [0, 0, 1, 1], [], []>, transpose_lhs_hint = false} : vector<2048x416xf32>, vector<416x16xf32>, vector<2048x16xf32> -> vector<2048x16xf32>
    %mul3A = arith.mulf %get3A_1, %get3A_1 : vector<2048x416xf32>
    %dot_general3A_18 = arith.constant dense<0.000000e+00> : vector<2048x16xf32>
    %dot_general3A_19 = tpu.matmul %mul3A, %get3A_10, %dot_general3A_18 {dimension_numbers = #tpu.dot_dimension_numbers<[1], [0], [0], [1], [0, 0, 1, 1], [], []>, transpose_lhs_hint = false} : vector<2048x416xf32>, vector<416x16xf32>, vector<2048x16xf32> -> vector<2048x16xf32>
    %mul3A_20 = arith.mulf %dot_general3A_17, %dot_general3A_17 : vector<2048x16xf32>
    %sub3A = arith.subf %mul3A_20, %dot_general3A_19 : vector<2048x16xf32>
    %reduce_sum3A_21 = arith.constant dense<0.000000e+00> : vector<2048xf32>
    %reduce_sum3A_22 = vector.multi_reduction <add>, %sub3A, %reduce_sum3A_21 [1] : vector<2048x16xf32> to vector<2048xf32>
    %broadcast_in_dim3A_23 = vector.shape_cast %reduce_sum3A_22 : vector<2048xf32> to vector<2048x1xf32>
    %mul3A_24 = arith.constant 5.000000e-01 : f32
    %mul3A_25 = vector.broadcast %mul3A_24 : f32 to vector<2048x1xf32>
    %mul3A_26 = arith.mulf %mul3A_25, %broadcast_in_dim3A_23 : vector<2048x1xf32>
    %get3A_27 = arith.constant 0 : index
    %get3A_28 = arith.constant 0 : index
    %get3A_29 = vector.load %arg6[%get3A_27, %get3A_28] : memref<38x416xf32, #tpu.memory_space<vmem>>, vector<38x416xf32>
    %dot_general3A_30 = arith.constant dense<0.000000e+00> : vector<2048x416xf32>
    %dot_general3A_31 = tpu.matmul %get3A_7, %get3A_29, %dot_general3A_30 {dimension_numbers = #tpu.dot_dimension_numbers<[1], [0], [0], [1], [0, 0, 1, 1], [], []>, transpose_lhs_hint = false} : vector<2048x38xf32>, vector<38x416xf32>, vector<2048x416xf32> -> vector<2048x416xf32>
    %get3A_32 = arith.constant 0 : index
    %get3A_33 = arith.constant 0 : index
    %get3A_34 = vector.load %arg7[%get3A_32, %get3A_33] : memref<1x416xf32, #tpu.memory_space<vmem>>, vector<1x416xf32>
    %add3A_35 = vector.broadcast %get3A_34 : vector<1x416xf32> to vector<2048x416xf32>
    %add3A_36 = arith.addf %dot_general3A_31, %add3A_35 : vector<2048x416xf32>
    %max3A = arith.constant 0.000000e+00 : f32
    %max3A_37 = vector.broadcast %max3A : f32 to vector<2048x416xf32>
    %max3A_38 = arith.maximumf %add3A_36, %max3A_37 : vector<2048x416xf32>
    %add3A_39 = arith.addf %get3A_1, %max3A_38 : vector<2048x416xf32>
    %get3A_40 = arith.constant 0 : index
    %get3A_41 = arith.constant 0 : index
    %get3A_42 = vector.load %arg8[%get3A_40, %get3A_41] : memref<416x64xf32, #tpu.memory_space<vmem>>, vector<416x64xf32>
    %dot_general3A_43 = arith.constant dense<0.000000e+00> : vector<2048x64xf32>
    %dot_general3A_44 = tpu.matmul %add3A_39, %get3A_42, %dot_general3A_43 {dimension_numbers = #tpu.dot_dimension_numbers<[1], [0], [0], [1], [0, 0, 1, 1], [], []>, transpose_lhs_hint = false} : vector<2048x416xf32>, vector<416x64xf32>, vector<2048x64xf32> -> vector<2048x64xf32>
    %get3A_45 = arith.constant 0 : index
    %get3A_46 = arith.constant 0 : index
    %get3A_47 = vector.load %arg9[%get3A_45, %get3A_46] : memref<1x64xf32, #tpu.memory_space<vmem>>, vector<1x64xf32>
    %add3A_48 = vector.broadcast %get3A_47 : vector<1x64xf32> to vector<2048x64xf32>
    %add3A_49 = arith.addf %dot_general3A_44, %add3A_48 : vector<2048x64xf32>
    %max3A_50 = arith.constant 0.000000e+00 : f32
    %max3A_51 = vector.broadcast %max3A_50 : f32 to vector<2048x64xf32>
    %max3A_52 = arith.maximumf %add3A_49, %max3A_51 : vector<2048x64xf32>
    %get3A_53 = arith.constant 0 : index
    %get3A_54 = arith.constant 0 : index
    %get3A_55 = vector.load %arg10[%get3A_53, %get3A_54] : memref<64x64xf32, #tpu.memory_space<vmem>>, vector<64x64xf32>
    %dot_general3A_56 = arith.constant dense<0.000000e+00> : vector<2048x64xf32>
    %dot_general3A_57 = tpu.matmul %max3A_52, %get3A_55, %dot_general3A_56 {dimension_numbers = #tpu.dot_dimension_numbers<[1], [0], [0], [1], [0, 0, 1, 1], [], []>, transpose_lhs_hint = false} : vector<2048x64xf32>, vector<64x64xf32>, vector<2048x64xf32> -> vector<2048x64xf32>
    %get3A_58 = arith.constant 0 : index
    %get3A_59 = arith.constant 0 : index
    %get3A_60 = vector.load %arg11[%get3A_58, %get3A_59] : memref<1x64xf32, #tpu.memory_space<vmem>>, vector<1x64xf32>
    %add3A_61 = vector.broadcast %get3A_60 : vector<1x64xf32> to vector<2048x64xf32>
    %add3A_62 = arith.addf %dot_general3A_57, %add3A_61 : vector<2048x64xf32>
    %max3A_63 = arith.constant 0.000000e+00 : f32
    %max3A_64 = vector.broadcast %max3A_63 : f32 to vector<2048x64xf32>
    %max3A_65 = arith.maximumf %add3A_62, %max3A_64 : vector<2048x64xf32>
    %get3A_66 = arith.constant 0 : index
    %get3A_67 = arith.constant 0 : index
    %get3A_68 = vector.load %arg12[%get3A_66, %get3A_67] : memref<64x64xf32, #tpu.memory_space<vmem>>, vector<64x64xf32>
    %dot_general3A_69 = arith.constant dense<0.000000e+00> : vector<2048x64xf32>
    %dot_general3A_70 = tpu.matmul %max3A_65, %get3A_68, %dot_general3A_69 {dimension_numbers = #tpu.dot_dimension_numbers<[1], [0], [0], [1], [0, 0, 1, 1], [], []>, transpose_lhs_hint = false} : vector<2048x64xf32>, vector<64x64xf32>, vector<2048x64xf32> -> vector<2048x64xf32>
    %get3A_71 = arith.constant 0 : index
    %get3A_72 = arith.constant 0 : index
    %get3A_73 = vector.load %arg13[%get3A_71, %get3A_72] : memref<1x64xf32, #tpu.memory_space<vmem>>, vector<1x64xf32>
    %add3A_74 = vector.broadcast %get3A_73 : vector<1x64xf32> to vector<2048x64xf32>
    %add3A_75 = arith.addf %dot_general3A_70, %add3A_74 : vector<2048x64xf32>
    %max3A_76 = arith.constant 0.000000e+00 : f32
    %max3A_77 = vector.broadcast %max3A_76 : f32 to vector<2048x64xf32>
    %max3A_78 = arith.maximumf %add3A_75, %max3A_77 : vector<2048x64xf32>
    %add3A_79 = arith.addf %add3A, %mul3A_26 : vector<2048x1xf32>
    %get3A_80 = arith.constant 0 : index
    %get3A_81 = arith.constant 0 : index
    %get3A_82 = vector.load %arg14[%get3A_80, %get3A_81] : memref<64x1xf32, #tpu.memory_space<vmem>>, vector<64x1xf32>
    %dot_general3A_83 = arith.constant dense<0.000000e+00> : vector<2048x1xf32>
    %dot_general3A_84 = tpu.matmul %max3A_78, %get3A_82, %dot_general3A_83 {dimension_numbers = #tpu.dot_dimension_numbers<[1], [0], [0], [1], [0, 0, 1, 1], [], []>, transpose_lhs_hint = false} : vector<2048x64xf32>, vector<64x1xf32>, vector<2048x1xf32> -> vector<2048x1xf32>
    %add3A_85 = arith.addf %add3A_79, %dot_general3A_84 : vector<2048x1xf32>
    %get3A_86 = arith.constant 0 : index
    %get3A_87 = arith.constant 0 : index
    %get3A_88 = vector.load %arg15[%get3A_86, %get3A_87] : memref<1x1xf32, #tpu.memory_space<vmem>>, vector<1x1xf32>
    %add3A_89 = vector.broadcast %get3A_88 : vector<1x1xf32> to vector<2048x1xf32>
    %add3A_90 = arith.addf %add3A_85, %add3A_89 : vector<2048x1xf32>
    %logistic3A = arith.negf %add3A_90 : vector<2048x1xf32>
    %logistic3A_91 = math.exp %logistic3A : vector<2048x1xf32>
    %logistic3A_92 = arith.constant 1.000000e+00 : f32
    %logistic3A_93 = vector.broadcast %logistic3A_92 : f32 to vector<2048x1xf32>
    %logistic3A_94 = arith.addf %logistic3A_93, %logistic3A_91 : vector<2048x1xf32>
    %logistic3A_95 = arith.divf %logistic3A_93, %logistic3A_94 : vector<2048x1xf32>
    %swap3A = arith.constant 0 : index
    %swap3A_96 = arith.constant 0 : index
    %swap3A_97 = vector.load %arg16[%swap3A, %swap3A_96] : memref<2048x1xf32, #tpu.memory_space<vmem>>, vector<2048x1xf32>
    tpu.vector_store %arg16[%swap3A, %swap3A_96], %logistic3A_95 {strides = array<i32>} : memref<2048x1xf32, #tpu.memory_space<vmem>>, vector<2048x1xf32>,
    return
  }
  func.func @transform_0(%arg0: i32) -> (i32, i32) {
    %c0_i32 = arith.constant 0 : i32
    %c0_i32_0 = arith.constant 0 : i32
    return %arg0, %c0_i32 : i32, i32
  }
  func.func @transform_1(%arg0: i32) -> (i32, i32) {
    %c0_i32 = arith.constant 0 : i32
    %c0_i32_0 = arith.constant 0 : i32
    return %arg0, %c0_i32 : i32, i32
  }
  func.func @transform_2(%arg0: i32) -> (i32, i32) {
    %c0_i32 = arith.constant 0 : i32
    %c0_i32_0 = arith.constant 0 : i32
    return %arg0, %c0_i32 : i32, i32
  }
  func.func @transform_3(%arg0: i32) -> (i32, i32) {
    %c0_i32 = arith.constant 0 : i32
    %c0_i32_0 = arith.constant 0 : i32
    %c0_i32_1 = arith.constant 0 : i32
    return %c0_i32, %c0_i32_0 : i32, i32
  }
  func.func @transform_4(%arg0: i32) -> (i32, i32) {
    %c0_i32 = arith.constant 0 : i32
    %c0_i32_0 = arith.constant 0 : i32
    %c0_i32_1 = arith.constant 0 : i32
    return %c0_i32, %c0_i32_0 : i32, i32
  }
  func.func @transform_5(%arg0: i32) -> (i32, i32) {
    %c0_i32 = arith.constant 0 : i32
    %c0_i32_0 = arith.constant 0 : i32
    %c0_i32_1 = arith.constant 0 : i32
    return %c0_i32, %c0_i32_0 : i32, i32
  }
  func.func @transform_6(%arg0: i32) -> (i32, i32) {
    %c0_i32 = arith.constant 0 : i32
    %c0_i32_0 = arith.constant 0 : i32
    %c0_i32_1 = arith.constant 0 : i32
    return %c0_i32, %c0_i32_0 : i32, i32
  }
  func.func @transform_7(%arg0: i32) -> (i32, i32) {
    %c0_i32 = arith.constant 0 : i32
    %c0_i32_0 = arith.constant 0 : i32
    %c0_i32_1 = arith.constant 0 : i32
    return %c0_i32, %c0_i32_0 : i32, i32
  }
  func.func @transform_8(%arg0: i32) -> (i32, i32) {
    %c0_i32 = arith.constant 0 : i32
    %c0_i32_0 = arith.constant 0 : i32
    %c0_i32_1 = arith.constant 0 : i32
    return %c0_i32, %c0_i32_0 : i32, i32
  }
  func.func @transform_9(%arg0: i32) -> (i32, i32) {
    %c0_i32 = arith.constant 0 : i32
    %c0_i32_0 = arith.constant 0 : i32
    %c0_i32_1 = arith.constant 0 : i32
    return %c0_i32, %c0_i32_0 : i32, i32
  }
  func.func @transform_10(%arg0: i32) -> (i32, i32) {
    %c0_i32 = arith.constant 0 : i32
    %c0_i32_0 = arith.constant 0 : i32
    %c0_i32_1 = arith.constant 0 : i32
    return %c0_i32, %c0_i32_0 : i32, i32
  }
  func.func @transform_11(%arg0: i32) -> (i32, i32) {
    %c0_i32 = arith.constant 0 : i32
    %c0_i32_0 = arith.constant 0 : i32
    %c0_i32_1 = arith.constant 0 : i32
    return %c0_i32, %c0_i32_0 : i32, i32
  }
  func.func @transform_12(%arg0: i32) -> (i32, i32) {
    %c0_i32 = arith.constant 0 : i32
    %c0_i32_0 = arith.constant 0 : i32
    %c0_i32_1 = arith.constant 0 : i32
    return %c0_i32, %c0_i32_0 : i32, i32
  }
  func.func @transform_13(%arg0: i32) -> (i32, i32) {
    %c0_i32 = arith.constant 0 : i32
    %c0_i32_0 = arith.constant 0 : i32
    %c0_i32_1 = arith.constant 0 : i32
    return %c0_i32, %c0_i32_0 : i32, i32
  }
  func.func @transform_14(%arg0: i32) -> (i32, i32) {
    %c0_i32 = arith.constant 0 : i32
    %c0_i32_0 = arith.constant 0 : i32
    %c0_i32_1 = arith.constant 0 : i32
    return %c0_i32, %c0_i32_0 : i32, i32
  }
  func.func @transform_15(%arg0: i32) -> (i32, i32) {
    %c0_i32 = arith.constant 0 : i32
    %c0_i32_0 = arith.constant 0 : i32
    return %arg0, %c0_i32 : i32, i32
  }
}

</mosaic_0001>

<sc_bundles>
// kernel: kernel.5.cloned.1.call-start
scs
__scs_entry_jumppad:
0x0: {  	(pc) =	sbr.rel $0x88, $3  }
0x1: {  	(tag) =	ssettag $0x0;
	lr =	simm.s32 $0x1  }
0x2: {  	[smem:$0x3F85] =	sst lr;
	_ =	strace $0xD0000000  }
0x3: {  	_ = 	snop  }
0x4: {  	_ = 	snop  }
0x5: {  	_ = 	snop  }
0x6: {  	_ = 	snop  }
0x7: {  	_ = 	snop  }
__scs_overlays_trampoline_lowered:
0x8: {  	[smem:$0x3F94] =	sst s0  }
0x9: {  	[smem:$0x3F95] =	sst s1  }
0xa: {  	[smem:$0x3F96] =	sst s2  }
0xb: {  	[smem:$0x3F97] =	sst s3  }
0xc: {  	[smem:$0x3F98] =	sst s4  }
0xd: {  	[smem:$0x3F99] =	sst s5  }
0xe: {  	[smem:$0x3F9A] =	sst s6  }
0xf: {  	[smem:$0x3F9B] =	sst s7  }
0x10: {  	[smem:$0x3F9C] =	sst s8  }
0x11: {  	[smem:$0x3F9D] =	sst s9;
	s0 =	simm.s32 @!p0 $0x0  }
0x12: {  	s1 =	sld [smem:$0x3F83];
	s0 =	simm.s32 @p0 $0x1  }
0x13: {  	[smem:$0x3F9E] =	sst s0;
	s0 =	simm.s32 @!p1 $0x0  }
0x14: {  	s2 =	sld [smem:$0x3F82];
	s0 =	simm.s32 @p1 $0x1  }
0x15: {  	[smem:$0x3F9F] =	sst s0;
	s0 =	simm.s32 @!p2 $0x0  }
0x16: {  	s3 =	sld [smem:$0x3FDB];
	s0 =	simm.s32 @p2 $0x1  }
0x17: {  	s4 =	simm.s32 $0x1BF5;
	[smem:$0x3FA1] =	sst s0  }
0x18: {  	s0 =	sld [smem:$0x3F84];
	_ =	swait.ge [sflag:s4], $0x0  }
0x19: {  	s7 =	sld [smem:$0x3F85]  }
0x1a: {  	s8 =	sadd.s32 $0xFFFFE003, lr  }
0x1b: {  	s9 =	sadd.s32 $0xFFFFFEF7, lr;
	s5 =	simm.s32 $0xFFFFFFFF;
	p2 =	slt.u32 s8, $0xFFFFF086  }
0x1c: {  	p1 =	slt.u32 s9, $0xF7A;
	s5 =	simm.s32 @!p2 $0x0  }
0x1d: {  	s5 =	simm.s32 @p1 $0x1;
	p0 =	seq.s32 s7, s2  }
0x1e: {  	s7 =	smul.u32 @!p0 $0xF7A, s2;
	p2 =	seq.s32 @!p0 s5, $0x0  }
0x1f: {  	s9 =	smul.u32 $0xF7A, s1;
	s8 =	simm.s32 @!p0 $0x1BF5;
	p2 =	por !p2, p0  }
0x20: {  	[sflag:s8] =	ssyncset.s32 @!p0 $0xFFFFF086;
	s6 =	sadd.s32 @!p0 s3, s7;
	s7 =	simm.s32 @!p0 $0x108  }
0x21: {  	s3 =	sadd.s32 s3, s9;
	s6 =	sadd.s32 @!p0 $0x88, s6;
	s7 =	simm.s32 @p2 $0x1082  }
0x22: {  	[simem:s7], [sflag:s8] =	dma.local @!p0 [hbm:s6], $0xF7A  }
0x23: {  	s9 =	sor.u32 $0xD0000000, s2;
	s6 =	simm.s32 $0x108;
	_ =	swait.ge @!p0 [sflag:s8], $0x0  }
0x24: {  	s3 =	sadd.s32 $0x88, s3;
	s6 =	simm.s32 @!p1 $0x1082;
	[sflag:s4] =	ssyncset.s32 $0xFFFFF086  }
0x25: {  	[simem:s6], [sflag:s4] =	dma.local [hbm:s3], $0xF7A  }
0x26: {  	[smem:$0x3F85] =	sst s1;
	(tag) =	ssettag s2;
	_ =	strace s9  }
0x27: {  	s1 =	sld [smem:$0x3F95]  }
0x28: {  	s2 =	sld [smem:$0x3F96]  }
0x29: {  	s4 =	sld [smem:$0x3F98]  }
0x2a: {  	p0 =	seq.s32 s5, $0x0;
	s5 =	sld [smem:$0x3F99]  }
0x2b: {  	s6 =	sld [smem:$0x3F9A]  }
0x2c: {  	s7 =	sld [smem:$0x3F9B]  }
0x2d: {  	s3 =	simm.s32 $0x108;
	s8 =	sld [smem:$0x3F9C]  }
0x2e: {  	s3 =	simm.s32 @!p0 $0x1082;
	s9 =	sld [smem:$0x3F9D]  }
0x2f: {  	lr =	sadd.s32 s0, s3;
	s0 =	sld [smem:$0x3F94]  }
0x30: {  	s3 =	sld [smem:$0x3F97]  }
0x31: {  	[smem:$0x3FA0] =	sst s10  }
0x32: {  	s10 =	sld [smem:$0x3F9E];
	_ =	sdelay $0x3  }
0x33: {  	p0 =	seq.s32 s10, $0x1;
	s10 =	sld [smem:$0x3FA0];
	_ =	sdelay $0x3  }
0x34: {  	[smem:$0x3FA0] =	sst s10  }
0x35: {  	s10 =	sld [smem:$0x3F9F];
	_ =	sdelay $0x3  }
0x36: {  	p1 =	seq.s32 s10, $0x1;
	s10 =	sld [smem:$0x3FA0];
	_ =	sdelay $0x3  }
0x37: {  	[smem:$0x3FA0] =	sst s10  }
0x38: {  	s10 =	sld [smem:$0x3FA1]  }
0x39: {  	_ = 	snop;
	(pc) =	sbr.ind lr, $3  }
0x3a: {  	_ = 	snop  }
0x3b: {  	_ = 	snop  }
0x3c: {  	p2 =	seq.s32 s10, $0x1;
	s10 =	sld [smem:$0x3FA0]  }
0x3d: {  	_ =	shalt  }
0x3e: {  	_ =	shalt  }
0x3f: {  	_ =	shalt  }
0x40: {  	_ =	shalt  }
0x41: {  	_ =	shalt  }
0x42: {  	_ =	shalt  }
0x43: {  	_ =	shalt  }
0x44: {  	_ =	shalt  }
0x45: {  	_ =	shalt  }
0x46: {  	_ =	shalt  }
0x47: {  	_ =	shalt  }
0x48: {  	_ =	shalt  }
0x49: {  	_ =	shalt  }
0x4a: {  	_ =	shalt  }
0x4b: {  	_ =	shalt  }
0x4c: {  	_ =	shalt  }
0x4d: {  	_ =	shalt  }
0x4e: {  	_ =	shalt  }
0x4f: {  	_ =	shalt  }
0x50: {  	_ =	shalt  }
0x51: {  	_ =	shalt  }
0x52: {  	_ =	shalt  }
0x53: {  	_ =	shalt  }
0x54: {  	_ =	shalt  }
0x55: {  	_ =	shalt  }
0x56: {  	_ =	shalt  }
0x57: {  	_ =	shalt  }
0x58: {  	_ =	shalt  }
0x59: {  	_ =	shalt  }
0x5a: {  	_ =	shalt  }
0x5b: {  	_ =	shalt  }
0x5c: {  	_ =	shalt  }
0x5d: {  	_ =	shalt  }
0x5e: {  	_ =	shalt  }
0x5f: {  	_ =	shalt  }
0x60: {  	_ =	shalt  }
0x61: {  	_ =	shalt  }
0x62: {  	_ =	shalt  }
0x63: {  	_ =	shalt  }
0x64: {  	_ =	shalt  }
0x65: {  	_ =	shalt  }
0x66: {  	_ =	shalt  }
0x67: {  	_ =	shalt  }
0x68: {  	_ =	shalt  }
0x69: {  	_ =	shalt  }
0x6a: {  	_ =	shalt  }
0x6b: {  	_ =	shalt  }
0x6c: {  	_ =	shalt  }
0x6d: {  	_ =	shalt  }
0x6e: {  	_ =	shalt  }
0x6f: {  	_ =	shalt  }
0x70: {  	_ =	shalt  }
0x71: {  	_ =	shalt  }
0x72: {  	_ =	shalt  }
0x73: {  	_ =	shalt  }
0x74: {  	_ =	shalt  }
0x75: {  	_ =	shalt  }
0x76: {  	_ =	shalt  }
0x77: {  	_ =	shalt  }
0x78: {  	_ =	shalt  }
0x79: {  	_ =	shalt  }
0x7a: {  	_ =	shalt  }
0x7b: {  	_ =	shalt  }
0x7c: {  	_ =	shalt  }
0x7d: {  	_ =	shalt  }
0x7e: {  	_ =	shalt  }
0x7f: {  	_ =	shalt  }
0x80: {  	_ =	shalt  }
0x81: {  	_ =	shalt  }
0x82: {  	_ =	shalt  }
0x83: {  	_ =	shalt  }
0x84: {  	_ =	shalt  }
0x85: {  	_ =	shalt  }
0x86: {  	_ =	shalt  }
0x87: {  	_ =	shalt  }
.Lfunc_end0:
.L_simem_size_0:
called_computation_lowered:
.L_overlay_start_0:
0x88: {  	s2 =	sld [smem:$0x3FD9]  }
0x89: {  	s3 =	sld [smem:$0x3FFE];
	_ =	sdelay $0x1  }
0x8a: {  	s1 =	srdreg.scid  }
0x8b: {  	s0 =	sand.u32 $0x1, s1  }
0x8c: {  	s16 =	sshll.u32 s0, $0xA;
	s2 =	sadd.s32 s3, s2  }
0x8d: {  	s2 =	sadd.s32 s2, s16  }
0x8e: {  	[smem:$0x3FAC] =	sst s2  }
0x8f: {  	_ = 	snop  }
0x90: {  	(tm) =	ssettm $0x1  }
0x91: {  	s17 =	sld [smem:$0x3FFB];
	_ =	sdelay $0x3  }
0x92: {  	_ =	strace s17  }
0x93: {  	s2 =	sld [smem:$0x3FFC];
	_ =	sdelay $0x3  }
0x94: {  	_ =	strace s2  }
0x95: {  	s2 =	sld [smem:$0x3FFD];
	_ =	sdelay $0x3  }
0x96: {  	_ =	strace s2  }
0x97: {  	_ =	strace $0x8FFFFFFF  }
0x98: {  	s18 =	sld [smem:$0x3FDB];
	_ =	sdelay $0x1  }
0x99: {  	s19 =	simm.s32 $_scs_section_size  }
0x9a: {  	s4 =	simm.s32 $_size__tile_overlayer_lowered;
	s5 =	simm.s32 $_tile_overlayer_lowered  }
0x9b: {  	s22 =	simm.s32 $0x1BFF;
	s21 =	sshll.u32 s5, $0x1;
	s2 =	sadd.s32 s19, s18  }
0x9c: {  	s6 =	simm.s32 $0x0;
	s20 =	sshll.u32 s4, $0x1;
	s4 =	sadd.s32 s21, s2  }
0x9d: {  	[timem:s6], [sflag:s22] =	dma.local [hbm:s4], s20  }
0x9e: {  	_ =	swait.ge [sflag:s22], s20  }
0x9f: {  	s3 =	ssub.s32 $0x0, s20;
	[sflag:s22] =	ssyncset.done $0x0  }
0xa0: {  	[sflag:s22] =	ssyncadd.s32 s3;
	_ =	sdelay $0x1  }
0xa1: {  	s23 =	simm.s32 $0x1B8B  }
0xa2: {  	_ =	swait.ge [sflag:s23], $0x1  }
0xa3: {  	[sflag:s23] =	ssyncset.done $0x0  }
0xa4: {  	s25 =	simm.s32 $0x1B8E;
	s24 =	sld [smem:$0x3FFE];
	[sflag:s23] =	ssyncadd.s32 $0xFFFFFFFF  }
0xa5: {  	s26 =	simm.s32 $execute0_lowered;
	[smem:$0x3FD2] =	sst s25  }
0xa6: {  	s4 =	sshll.u32 s26, $0x1;
	_ =	strace $0x80000046;
	[dreg:$0x1] =	wrdreg $0xFFFFFFFF  }
0xa7: {  	s28 =	simm.s32 $_size_execute0_lowered;
	s2 =	sadd.s32 s2, s4;
	[dreg:$0x0] =	wrdreg $0x0  }
0xa8: {  	s4 =	sshll.u32 s28, $0x1;
	[dreg:$0x2] =	wrdreg s2  }
0xa9: {  	[dreg:$0x3] =	wrdreg s4  }
0xaa: {  	[dreg:$0x4] =	wrdreg $0xC0  }
0xab: {  	_ =	task [dreg:s6], $0x5FFFF  }
0xac: {  	[dreg:$0x1] =	wrdreg $0xFFFFFFFF  }
0xad: {  	[dreg:$0x0] =	wrdreg $0x60  }
0xae: {  	[dreg:$0x2] =	wrdreg s24  }
0xaf: {  	[dreg:$0x3] =	wrdreg $0x9  }
0xb0: {  	_ =	task.clear_ibuf [dreg:s6], $0x4FFFF;
	_ =	strace $0x90000046  }
0xb1: {  	s29 =	simm.s32 $0x9;
	_ =	strace $0x80000048  }
0xb2: {  	_ =	swait.ge [sflag:s29], $0x1  }
0xb3: {  	[sflag:s29] =	ssyncadd.s32 $0xFFFFFFFF  }
0xb4: {  	_ =	strace $0x90000048  }
0xb5: {  	_ =	sfence  }
0xb6: {  	s30 =	sld [smem:$0x0];
	_ =	sdelay $0x2  }
0xb7: {  	s31 =	sshll.u32 s1, $0xD;
	s1 =	sshrl.u32 s1, $0x2  }
0xb8: {  	s3 =	sand.u32 $0x4000, s31;
	s1 =	sadd.s32 s1, s30  }
0xb9: {  	s0 =	sor.u32 s3, s0;
	s1 =	sshll.u32 s1, $0x11  }
0xba: {  	s0 =	sor.u32 s1, s0  }
0xbb: {  	s0 =	sadd.s32 $0x8F2B, s0  }
0xbc: {  	[sflag:s0] =	ssyncadd.remote.s32 $0x1  }
0xbd: {  	_ =	sfence.sel $0xFFFF  }
0xbe: {  	[dreg:$0x0] =	wrdreg $0xFFFFFFFF;
	(pc) =	sbr.abs _section_cstart, $3  }
0xbf: {  	[dreg:$0x1] =	wrdreg $0xFFFFFFFF  }
0xc0: {  	_ =	task.clear_ibuf [dreg:s6], $0x2FFFF;
	_ =	strace $0x9FFFFFFF  }
0xc1: {  	(tm) =	ssettm $0x7FFFFFFF  }
tec
execute0_lowered:
.L_overlay_start_1:
0x0: {  	(tag) =	ssettag $0x1  }
0x1: {  	s1 =	srdreg.scid  }
0x2: {  	s0 =	stileid.u32;
	s6 =	rddreg [dreg:$0x0]  }
0x3: {  	s2 =	simm.s32 $0x0;
	s14 =	simm.s32 $0x8800;
	s15 =	simm.s32 $0x7000  }
0x4: {  	s16 =	simm.s32 $0x8880;
	s17 =	simm.s32 $0x7800;
	s18 =	simm.s32 $0x8900  }
0x5: {  	s19 =	simm.s32 $0x8000;
	s20 =	simm.s32 $0x8980;
	s7 =	smul.u32 $0xD000, s0  }
0x6: {  	s21 =	simm.s32 $0x1;
	s5 =	sand.u32 $0x1, s1;
	s8 =	smul.u32 $0x6800, s0  }
0x7: {  	s22 =	simm.s32 $0x0;
	s25 =	sshll.u32 s0, $0x1;
	s10 =	smul.u32 $0x3400, s5  }
0x8: {  	[smem:$0x7FF] =	sst s2;
	s1 =	sor.u32 s5, s25;
	s12 =	smul.u32 $0x6800, s5  }
0x9: {  	s4 =	sadd.s32 $0x515C00, s6;
	s28 =	ssub.s32 $0x2, s5;
	s3 =	smul.u32 $0x3400, s1  }
0xa: {  	s1 =	rddreg [dreg:$0x1];
	_ =	strace $0x80000047;
	s29 =	sshrl.u32 s28, $0x1  }
0xb: {  	s11 =	sadd.s32 s7, s6;
	s26 =	sadd.s32 s10, s8;
	s30 =	ssub.s32 s28, s29  }
0xc: {  	s31 =	sadd.s32 s12, s11;
	s10 =	simm.s32 $0x2;
	s11 =	simm.s32 $0x3400  }
0xd: {  	s12 =	simm.s32 $0x80;
	s9 =	sshrl.u32 s3, $0x3;
	s7 =	sshrl.u32 s26, $0x3  }
0xe: {  	s3 =	sadd.s32 $0x1F000, s6;
	s9 =	sadd.s32 s9, s6;
	s13 =	sadd.s32 s7, s6  }
0xf: {  	s7 =	smax.u32 s30, $0x1;
	s5 =	sadd.s32 $0x12000, s9;
	s8 =	sadd.s32 $0x635200, s13  }
0x10: {  	s6 =	sadd.s32 $0x5000, s9;
	s9 =	sadd.s32 $0x565200, s31;
	s13 =	simm.s32 $0x6800  }
.LBB2_1:
0x11: {  	[tilespmem:s2], [sflag:$0x2] =	stream.linear.gather [hbm4b:s5+s2], $0x3400, $0x38;
	[tilespmem:$0x8A00] =	vst v63  }
0x12: {  	_ =	swait.ge [sflag:s10], $0x3400  }
0x13: {  	[sflag:s10] =	ssyncset.done $0x0  }
0x14: {  	[sflag:s10] =	ssyncadd.s32 $0xFFFFCC00  }
0x15: {  	[tilespmem:s11], [sflag:$0x2] =	stream.linear.gather [hbm4b:s6+s2], $0x3400, $0x38;
	[tilespmem:$0x8A00] =	vst v63  }
0x16: {  	_ =	swait.ge [sflag:s10], $0x3400  }
0x17: {  	[sflag:s10] =	ssyncset.done $0x0  }
0x18: {  	s23 =	simm.s32 $0x0;
	[sflag:s10] =	ssyncadd.s32 $0xFFFFCC00  }
0x19: {  	[tilespmem:s13], [sflag:$0x1] =	stream.indirect.gather [hbm4b:s3+s12], $0x10, s23, s12, $0xb8;
	[tilespmem:$0x8A00] =	vst v63  }
0x1a: {  	s31 =	simm.s32 $0x3400  }
0x1b: {  	[tilespmem:s14], [sflag:$0x1] =	stream.indirect.gather [hbm4b:s4+s12], $0x1, s31, s12, $0xb8;
	[tilespmem:$0x8A00] =	vst v63  }
0x1c: {  	s24 =	simm.s32 $0x80  }
0x1d: {  	[tilespmem:s15], [sflag:$0x1] =	stream.indirect.gather [hbm4b:s3+s12], $0x10, s24, s12, $0xb8;
	[tilespmem:$0x8A00] =	vst v63  }
0x1e: {  	s25 =	simm.s32 $0x3480  }
0x1f: {  	[tilespmem:s16], [sflag:$0x1] =	stream.indirect.gather [hbm4b:s4+s12], $0x1, s25, s12, $0xb8;
	[tilespmem:$0x8A00] =	vst v63  }
0x20: {  	s26 =	simm.s32 $0x100  }
0x21: {  	[tilespmem:s17], [sflag:$0x1] =	stream.indirect.gather [hbm4b:s3+s12], $0x10, s26, s12, $0xb8;
	[tilespmem:$0x8A00] =	vst v63  }
0x22: {  	s29 =	simm.s32 $0x3500  }
0x23: {  	[tilespmem:s18], [sflag:$0x1] =	stream.indirect.gather [hbm4b:s4+s12], $0x1, s29, s12, $0xb8;
	[tilespmem:$0x8A00] =	vst v63  }
0x24: {  	s30 =	simm.s32 $0x180  }
0x25: {  	[tilespmem:s19], [sflag:$0x1] =	stream.indirect.gather [hbm4b:s3+s12], $0x10, s30, s12, $0xb8;
	[tilespmem:$0x8A00] =	vst v63  }
0x26: {  	s31 =	simm.s32 $0x3580  }
0x27: {  	[tilespmem:s20], [sflag:$0x1] =	stream.indirect.gather [hbm4b:s4+s12], $0x1, s31, s12, $0xb8;
	[tilespmem:$0x8A00] =	vst v63  }
0x28: {  	_ =	swait.ge [sflag:s21], $0x800  }
0x29: {  	[sflag:s21] =	ssyncset.done $0x0  }
0x2a: {  	[sflag:s21] =	ssyncadd.s32 $0xFFFFF800  }
0x2b: {  	_ =	swait.ge [sflag:s21], $0x80  }
0x2c: {  	[sflag:s21] =	ssyncset.done $0x0  }
0x2d: {  	[sflag:s21] =	ssyncadd.s32 $0xFFFFFF80  }
0x2e: {  	_ =	swait.ge [sflag:s21], $0x800  }
0x2f: {  	[sflag:s21] =	ssyncset.done $0x0  }
0x30: {  	[sflag:s21] =	ssyncadd.s32 $0xFFFFF800  }
0x31: {  	_ =	swait.ge [sflag:s21], $0x80  }
0x32: {  	[sflag:s21] =	ssyncset.done $0x0  }
0x33: {  	[sflag:s21] =	ssyncadd.s32 $0xFFFFFF80  }
0x34: {  	_ =	swait.ge [sflag:s21], $0x800  }
0x35: {  	[sflag:s21] =	ssyncset.done $0x0  }
0x36: {  	[sflag:s21] =	ssyncadd.s32 $0xFFFFF800  }
0x37: {  	_ =	swait.ge [sflag:s21], $0x80  }
0x38: {  	[sflag:s21] =	ssyncset.done $0x0  }
0x39: {  	[sflag:s21] =	ssyncadd.s32 $0xFFFFFF80  }
0x3a: {  	_ =	swait.ge [sflag:s21], $0x800  }
0x3b: {  	[sflag:s21] =	ssyncset.done $0x0  }
0x3c: {  	[sflag:s21] =	ssyncadd.s32 $0xFFFFF800  }
0x3d: {  	_ =	swait.ge [sflag:s21], $0x80  }
0x3e: {  	[sflag:s21] =	ssyncset.done $0x0  }
0x3f: {  	[sflag:s21] =	ssyncadd.s32 $0xFFFFFF80  }
0x40: {  	[hbm4b:s9+s2] =	stream.linear.scatter [tilespmem:s13], [sflag:$0x2], $0x2000, $0x38;
	[tilespmem:$0x8A00] =	vst v63  }
0x41: {  	_ =	swait.ge [sflag:s10], $0x2000  }
0x42: {  	[sflag:s10] =	ssyncset.done $0x0  }
0x43: {  	[sflag:s10] =	ssyncadd.s32 $0xFFFFE000  }
0x44: {  	[hbm4b:s8+s2] =	stream.linear.scatter [tilespmem:s14], [sflag:$0x2], $0x200, $0x38;
	[tilespmem:$0x8A00] =	vst v63  }
0x45: {  	s28 =	simm.s32 $0x1000;
	s23 =	sadd.s32 $0x40, s8;
	_ =	swait.ge [sflag:s10], $0x200  }
0x46: {  	s24 =	sadd.s32 $0x400, s9;
	s25 =	simm.s32 $0x800;
	[sflag:s10] =	ssyncset.done $0x0  }
.LBB2_2:
0x47: {  	s29 =	sshra.s32 s25, $0x2  }
0x48: {  	[sflag:s10] =	ssyncadd.s32 $0xFFFFFE00;
	s25 =	smov.u32 s28;
	s26 =	sadd.s32 $0x800, s28  }
0x49: {  	[tilespmem:s13], [sflag:$0x1] =	stream.indirect.gather [hbm4b:s3+s12], $0x10, s29, s12, $0xb8;
	[tilespmem:$0x8A00] =	vst v63  }
0x4a: {  	p0 =	sne.s32 s28, $0xC800;
	s28 =	sadd.s32 $0x3400, s29  }
0x4b: {  	[tilespmem:s14], [sflag:$0x1] =	stream.indirect.gather [hbm4b:s4+s12], $0x1, s28, s12, $0xb8;
	[tilespmem:$0x8A00] =	vst v63  }
0x4c: {  	s28 =	sadd.s32 $0x80, s29  }
0x4d: {  	[tilespmem:s15], [sflag:$0x1] =	stream.indirect.gather [hbm4b:s3+s12], $0x10, s28, s12, $0xb8;
	[tilespmem:$0x8A00] =	vst v63  }
0x4e: {  	s28 =	sadd.s32 $0x3480, s29  }
0x4f: {  	[tilespmem:s16], [sflag:$0x1] =	stream.indirect.gather [hbm4b:s4+s12], $0x1, s28, s12, $0xb8;
	[tilespmem:$0x8A00] =	vst v63  }
0x50: {  	s28 =	sadd.s32 $0x100, s29  }
0x51: {  	[tilespmem:s17], [sflag:$0x1] =	stream.indirect.gather [hbm4b:s3+s12], $0x10, s28, s12, $0xb8;
	[tilespmem:$0x8A00] =	vst v63  }
0x52: {  	s28 =	sadd.s32 $0x3500, s29  }
0x53: {  	[tilespmem:s18], [sflag:$0x1] =	stream.indirect.gather [hbm4b:s4+s12], $0x1, s28, s12, $0xb8;
	[tilespmem:$0x8A00] =	vst v63  }
0x54: {  	s28 =	sadd.s32 $0x180, s29  }
0x55: {  	[tilespmem:s19], [sflag:$0x1] =	stream.indirect.gather [hbm4b:s3+s12], $0x10, s28, s12, $0xb8;
	[tilespmem:$0x8A00] =	vst v63  }
0x56: {  	s28 =	sadd.s32 $0x3580, s29  }
0x57: {  	[tilespmem:s20], [sflag:$0x1] =	stream.indirect.gather [hbm4b:s4+s12], $0x1, s28, s12, $0xb8;
	[tilespmem:$0x8A00] =	vst v63  }
0x58: {  	_ =	swait.ge [sflag:s21], $0x800  }
0x59: {  	[sflag:s21] =	ssyncset.done $0x0  }
0x5a: {  	[sflag:s21] =	ssyncadd.s32 $0xFFFFF800  }
0x5b: {  	_ =	swait.ge [sflag:s21], $0x80  }
0x5c: {  	[sflag:s21] =	ssyncset.done $0x0  }
0x5d: {  	[sflag:s21] =	ssyncadd.s32 $0xFFFFFF80  }
0x5e: {  	_ =	swait.ge [sflag:s21], $0x800  }
0x5f: {  	[sflag:s21] =	ssyncset.done $0x0  }
0x60: {  	[sflag:s21] =	ssyncadd.s32 $0xFFFFF800  }
0x61: {  	_ =	swait.ge [sflag:s21], $0x80  }
0x62: {  	[sflag:s21] =	ssyncset.done $0x0  }
0x63: {  	[sflag:s21] =	ssyncadd.s32 $0xFFFFFF80  }
0x64: {  	_ =	swait.ge [sflag:s21], $0x800  }
0x65: {  	[sflag:s21] =	ssyncset.done $0x0  }
0x66: {  	[sflag:s21] =	ssyncadd.s32 $0xFFFFF800  }
0x67: {  	_ =	swait.ge [sflag:s21], $0x80  }
0x68: {  	[sflag:s21] =	ssyncset.done $0x0  }
0x69: {  	[sflag:s21] =	ssyncadd.s32 $0xFFFFFF80  }
0x6a: {  	_ =	swait.ge [sflag:s21], $0x800  }
0x6b: {  	[sflag:s21] =	ssyncset.done $0x0  }
0x6c: {  	[sflag:s21] =	ssyncadd.s32 $0xFFFFF800  }
0x6d: {  	_ =	swait.ge [sflag:s21], $0x80  }
0x6e: {  	[sflag:s21] =	ssyncset.done $0x0  }
0x6f: {  	[sflag:s21] =	ssyncadd.s32 $0xFFFFFF80  }
0x70: {  	[hbm4b:s24+s2] =	stream.linear.scatter [tilespmem:s13], [sflag:$0x2], $0x2000, $0x38;
	[tilespmem:$0x8A00] =	vst v63  }
0x71: {  	_ =	swait.ge [sflag:s10], $0x2000  }
.Ltmp0:
0x72: {  	[sflag:s10] =	ssyncset.done $0x0;
	(pc) =	sbr.rel @p0 .LBB2_2-.Ltmp0, $4  }
0x73: {  	[sflag:s10] =	ssyncadd.s32 $0xFFFFE000  }
0x74: {  	[hbm4b:s23+s2] =	stream.linear.scatter [tilespmem:s14], [sflag:$0x2], $0x200, $0x38;
	[tilespmem:$0x8A00] =	vst v63  }
0x75: {  	s28 =	smov.u32 s26;
	_ =	swait.ge [sflag:s10], $0x200  }
0x76: {  	s24 =	sadd.s32 $0x400, s24;
	s23 =	sadd.s32 $0x40, s23;
	[sflag:s10] =	ssyncset.done $0x0  }
0x77: {  	s25 =	sshra.s32 s25, $0x2;
	[sflag:s10] =	ssyncadd.s32 $0xFFFFFE00  }
0x78: {  	[tilespmem:s13], [sflag:$0x1] =	stream.indirect.gather [hbm4b:s3+s12], $0x10, s25, s12, $0xb8;
	[tilespmem:$0x8A00] =	vst v63  }
0x79: {  	s26 =	sadd.s32 $0x3400, s25  }
0x7a: {  	[tilespmem:s14], [sflag:$0x1] =	stream.indirect.gather [hbm4b:s4+s12], $0x1, s26, s12, $0xb8;
	[tilespmem:$0x8A00] =	vst v63  }
0x7b: {  	s31 =	sadd.s32 $0x80, s25  }
0x7c: {  	[tilespmem:s15], [sflag:$0x1] =	stream.indirect.gather [hbm4b:s3+s12], $0x10, s31, s12, $0xb8;
	[tilespmem:$0x8A00] =	vst v63  }
0x7d: {  	s28 =	sadd.s32 $0x3480, s25  }
0x7e: {  	[tilespmem:s16], [sflag:$0x1] =	stream.indirect.gather [hbm4b:s4+s12], $0x1, s28, s12, $0xb8;
	[tilespmem:$0x8A00] =	vst v63  }
0x7f: {  	s29 =	sadd.s32 $0x100, s25  }
0x80: {  	[tilespmem:s17], [sflag:$0x1] =	stream.indirect.gather [hbm4b:s3+s12], $0x10, s29, s12, $0xb8;
	[tilespmem:$0x8A00] =	vst v63  }
0x81: {  	s30 =	sadd.s32 $0x3500, s25  }
0x82: {  	[tilespmem:s18], [sflag:$0x1] =	stream.indirect.gather [hbm4b:s4+s12], $0x1, s30, s12, $0xb8;
	[tilespmem:$0x8A00] =	vst v63  }
0x83: {  	s31 =	sadd.s32 $0x180, s25  }
0x84: {  	[tilespmem:s19], [sflag:$0x1] =	stream.indirect.gather [hbm4b:s3+s12], $0x10, s31, s12, $0xb8;
	[tilespmem:$0x8A00] =	vst v63  }
0x85: {  	s25 =	sadd.s32 $0x3580, s25  }
0x86: {  	[tilespmem:s20], [sflag:$0x1] =	stream.indirect.gather [hbm4b:s4+s12], $0x1, s25, s12, $0xb8;
	[tilespmem:$0x8A00] =	vst v63  }
0x87: {  	_ =	swait.ge [sflag:s21], $0x800  }
0x88: {  	[sflag:s21] =	ssyncset.done $0x0  }
0x89: {  	[sflag:s21] =	ssyncadd.s32 $0xFFFFF800  }
0x8a: {  	_ =	swait.ge [sflag:s21], $0x80  }
0x8b: {  	[sflag:s21] =	ssyncset.done $0x0  }
0x8c: {  	[sflag:s21] =	ssyncadd.s32 $0xFFFFFF80  }
0x8d: {  	_ =	swait.ge [sflag:s21], $0x800  }
0x8e: {  	[sflag:s21] =	ssyncset.done $0x0  }
0x8f: {  	[sflag:s21] =	ssyncadd.s32 $0xFFFFF800  }
0x90: {  	_ =	swait.ge [sflag:s21], $0x80  }
0x91: {  	[sflag:s21] =	ssyncset.done $0x0  }
0x92: {  	[sflag:s21] =	ssyncadd.s32 $0xFFFFFF80  }
0x93: {  	_ =	swait.ge [sflag:s21], $0x800  }
0x94: {  	[sflag:s21] =	ssyncset.done $0x0  }
0x95: {  	[sflag:s21] =	ssyncadd.s32 $0xFFFFF800  }
0x96: {  	_ =	swait.ge [sflag:s21], $0x80  }
0x97: {  	[sflag:s21] =	ssyncset.done $0x0  }
0x98: {  	[sflag:s21] =	ssyncadd.s32 $0xFFFFFF80  }
0x99: {  	_ =	swait.ge [sflag:s21], $0x800  }
0x9a: {  	[sflag:s21] =	ssyncset.done $0x0  }
0x9b: {  	[sflag:s21] =	ssyncadd.s32 $0xFFFFF800  }
0x9c: {  	_ =	swait.ge [sflag:s21], $0x80  }
0x9d: {  	[sflag:s21] =	ssyncset.done $0x0  }
0x9e: {  	[sflag:s21] =	ssyncadd.s32 $0xFFFFFF80  }
0x9f: {  	[hbm4b:s24+s2] =	stream.linear.scatter [tilespmem:s13], [sflag:$0x2], $0x2000, $0x38;
	[tilespmem:$0x8A00] =	vst v63  }
0xa0: {  	s22 =	sadd.s32 $0x1, s22;
	_ =	swait.ge [sflag:s10], $0x2000  }
0xa1: {  	p0 =	sne.s32 s22, s7;
	[sflag:s10] =	ssyncset.done $0x0  }
.Ltmp1:
0xa2: {  	[sflag:s10] =	ssyncadd.s32 $0xFFFFE000;
	(pc) =	sbr.rel @p0 .LBB2_1-.Ltmp1, $4  }
0xa3: {  	[hbm4b:s23+s2] =	stream.linear.scatter [tilespmem:s14], [sflag:$0x2], $0x200, $0x38;
	[tilespmem:$0x8A00] =	vst v63  }
0xa4: {  	_ =	swait.ge [sflag:s10], $0x200  }
0xa5: {  	[sflag:s10] =	ssyncset.done $0x0  }
0xa6: {  	[sflag:s10] =	ssyncadd.s32 $0xFFFFFE00  }
0xa7: {  	_ =	sfence.sel $0x180000  }
0xa8: {  	[bflag:$0x0] =	sbarrier.arrive $0xFFFF  }
0xa9: {  	p0 =	sne.s32 s0, $0x0;
	_ =	strace $0x90000047  }
0xaa: {  	s0 =	sadd.s32 @!p0 $0x100000, s1;
	[bflag:$0x2] =	sbarrier.arrive $0xFFFF  }
0xab: {  	[sflag:s0] =	ssyncadd.tile.s32 @!p0 $0x1;
	_ =	shalt  }
.Lfunc_end2:
_tile_overlayer_lowered:
.L_overlay_start_2:
0xac: {  	(tag) =	ssettag $0x2  }
0xad: {  	s0 =	rddreg [dreg:$0x0];
	s2 =	stileid.u32  }
0xae: {  	s1 =	rddreg [dreg:$0x1];
	p0 =	sne.s32 s2, $0x0  }
0xaf: {  	s3 =	rddreg [dreg:$0x2];
	[bflag:$0x3] =	sbarrier.arrive $0xFFFF;
	s2 =	simm.s32 @!p0 $0x1C02  }
0xb0: {  	[timem:s3], [sflag:s2] =	dma.local @!p0 [hbm:s0], s1  }
0xb1: {  	s0 =	simm.s32 @!p0 $0x2  }
0xb2: {  	_ =	swait.ge @!p0 [sflag:s0], s1  }
0xb3: {  	s1 =	ssub.s32 @!p0 $0x0, s1;
	[sflag:s0] =	ssyncset.done @!p0 $0x0  }
0xb4: {  	[sflag:s0] =	ssyncadd.s32 @!p0 s1  }
0xb5: {  	[bflag:$0x3] =	sbarrier.arrive $0xFFFF  }
0xb6: {  	_ =	shalt  }

</sc_bundles>
